<compile_context>
chip_gen: v7x
topology: tpu7x:2x2x1
jax: 0.10.2.dev20260603
libtpu: 0.0.44.dev20260713+nightly
codegen_flags: <defaults>
</compile_context>

<pallas_src>
import functools

import jax
import jax.numpy as jnp
from jax import lax
from jax.experimental import pallas as pl
from jax.experimental.pallas import tpu as pltpu
from jax.experimental.pallas import tpu_sc as plsc

_NC = 2
_NS = 16
_K = 128

_N = 10000
_NPAD = 64
_NROWS = _N + _NPAD
_PAD_DST = _N
_ZR_HI = 632
_ZR_LO = _NROWS - 15 * _ZR_HI
_OR_HI = 632
_OR_LO = _N - 15 * _OR_HI



_NBUF = 3


@functools.lru_cache(maxsize=None)
def _make_sc_accum(n_chunks, table_rows):
    assert n_chunks % _NBUF == 0
    mesh = plsc.VectorSubcoreMesh(core_axis_name="c", subcore_axis_name="s")

    scratch = (
        [pltpu.VMEM((2, _K), jnp.int32) for _ in range(_NBUF)]
        + [pltpu.VMEM((_K, 128), jnp.float32) for _ in range(_NBUF)]
        + [pltpu.SemaphoreType.DMA for _ in range(_NBUF)]
        + [pltpu.SemaphoreType.DMA for _ in range(_NBUF)]
        + [pltpu.VMEM_SHARED((_NROWS, 128), jnp.float32)]
    )

    @functools.partial(
        pl.kernel,
        out_type=jax.ShapeDtypeStruct((_NC, _N, 128), jnp.float32),
        mesh=mesh,
        scratch_types=scratch,
    )
    def sc_accum(table, comb, zeros, out, *refs):
        cv = list(refs[0:_NBUF])
        rv = list(refs[_NBUF:2 * _NBUF])
        gsem = list(refs[2 * _NBUF:3 * _NBUF])
        ssem = list(refs[3 * _NBUF:4 * _NBUF])
        acc = refs[4 * _NBUF]
        c = lax.axis_index("c")
        s = lax.axis_index("s")

        @pl.when(s < _NS - 1)
        def _zero_hi():
            pltpu.sync_copy(zeros, acc.at[pl.ds(s * _ZR_HI, _ZR_HI)])

        @pl.when(s == _NS - 1)
        def _zero_lo():
            pltpu.sync_copy(zeros.at[pl.ds(0, _ZR_LO)],
                            acc.at[pl.ds(15 * _ZR_HI, _ZR_LO)])

        plsc.subcore_barrier()

        tile_base = (c * _NS + s) * n_chunks

        for b in range(2):
            pltpu.sync_copy(comb.at[tile_base + b], cv[b])
            pltpu.async_copy(table.at[cv[b].at[0]], rv[b], gsem[b])

        @pl.loop(0, n_chunks, step=_NBUF)
        def _chunk(j):
            for b in range(_NBUF):
                cur = j + b
                pltpu.make_async_copy(table.at[cv[b].at[0]], rv[b],
                                      gsem[b]).wait()
                pltpu.async_copy(rv[b], acc.at[cv[b].at[1]], ssem[b], add=True)
                bb = (b + 2) % _NBUF
                nxt = cur + 2

                @pl.when(nxt < n_chunks)
                def _prefetch():
                    @pl.when(nxt >= _NBUF)
                    def _free():
                        pltpu.make_async_copy(rv[bb], acc.at[cv[bb].at[1]],
                                              ssem[bb]).wait()

                    pltpu.sync_copy(comb.at[tile_base + nxt], cv[bb])
                    pltpu.async_copy(table.at[cv[bb].at[0]], rv[bb], gsem[bb])

        for b in range(_NBUF):
            pltpu.make_async_copy(rv[b], acc.at[cv[b].at[1]], ssem[b]).wait()

        plsc.subcore_barrier()

        @pl.when(s < _NS - 1)
        def _copy_hi():
            pltpu.sync_copy(acc.at[pl.ds(s * _OR_HI, _OR_HI)],
                            out.at[c, pl.ds(s * _OR_HI, _OR_HI)])

        @pl.when(s == _NS - 1)
        def _copy_lo():
            pltpu.sync_copy(acc.at[pl.ds(15 * _OR_HI, _OR_LO)],
                            out.at[c, pl.ds(15 * _OR_HI, _OR_LO)])

    return sc_accum



def _mm_body(x_ref, w_ref, o_ref):
    o_ref[0] = jnp.dot(x_ref[...], w_ref[0], preferred_element_type=jnp.float32)


def _stacked_mm(x, w):
    g, din, dout = w.shape
    n = x.shape[0]
    bm = 1000
    return pl.pallas_call(
        _mm_body,
        grid=(g, n // bm),
        in_specs=[
            pl.BlockSpec((bm, din), lambda gi, m: (m, 0)),
            pl.BlockSpec((1, din, dout), lambda gi, m: (gi, 0, 0)),
        ],
        out_specs=pl.BlockSpec((1, bm, dout), lambda gi, m: (gi, m, 0)),
        out_shape=jax.ShapeDtypeStruct((g, n, dout), jnp.float32),
    )(x, w)


def _relu_mm_body(a_ref, b_ref, w_ref, o_ref, h1_ref):
    @pl.when(pl.program_id(1) == 0)
    def _build():
        bv = b_ref[...]
        h1_ref[:, 0:128] = jnp.maximum(a_ref[0] + bv[:, 0:128], 0.0)
        h1_ref[:, 128:256] = jnp.maximum(a_ref[1] + bv[:, 128:256], 0.0)

    o_ref[0] = jnp.dot(h1_ref[...], w_ref[0], preferred_element_type=jnp.float32)


def _relu_stacked_mm(agg, b, w):
    g, din, dout = w.shape
    bm = 1000
    return pl.pallas_call(
        _relu_mm_body,
        grid=(_N // bm, g),
        in_specs=[
            pl.BlockSpec((2, bm, 128), lambda m, gi: (0, m, 0)),
            pl.BlockSpec((1, 256), lambda m, gi: (0, 0)),
            pl.BlockSpec((1, din, dout), lambda m, gi: (gi, 0, 0)),
        ],
        out_specs=pl.BlockSpec((1, bm, dout), lambda m, gi: (gi, m, 0)),
        out_shape=jax.ShapeDtypeStruct((g, _N, dout), jnp.float32),
        scratch_shapes=[pltpu.VMEM((bm, 256), jnp.float32)],
    )(agg, b, w)


def _final_body(a_ref, b_ref, wc_ref, bc_ref, o_ref):
    h2 = jnp.maximum(a_ref[0] + a_ref[1] + b_ref[...], 0.0)
    m = jnp.sum(h2, axis=0, keepdims=True) * (1.0 / _N)
    logits = jnp.dot(m, wc_ref[...], preferred_element_type=jnp.float32) + bc_ref[...]
    z = logits - jnp.max(logits, axis=1, keepdims=True)
    e = jnp.exp(z)
    o_ref[...] = e / jnp.sum(e, axis=1, keepdims=True)


def _final(agg, b2, wc, bc):
    c = wc.shape[1]
    return pl.pallas_call(
        _final_body,
        out_shape=jax.ShapeDtypeStruct((1, c), jnp.float32),
    )(agg, b2, wc, bc)



def _round_up(x, m):
    return -(-x // m) * m


def _pad_reshape(arr, per_core, n_chunks, pad_dst):
    target = _NS * n_chunks * _K
    padlen = target - per_core
    if pad_dst:
        padvals = _PAD_DST + (jnp.arange(padlen, dtype=jnp.int32) % _NPAD)
    else:
        padvals = jnp.zeros((padlen,), jnp.int32)
    arr = jnp.concatenate(
        [arr, jnp.broadcast_to(padvals, (_NC, padlen))], axis=1)
    return arr.reshape(-1, _K)


def _combine_idx(keys_rows, dst_rows):
    return jnp.stack([keys_rows, dst_rows], axis=1)


def kernel(h, edge_index, rel_types, W1, W1_self, b1, W2, W2_self, b2, Wc, bc):
    h = h.astype(jnp.float32)
    n = h.shape[0]
    nr = W1.shape[0]

    w1_all = jnp.concatenate([W1, W1_self[None]], axis=0)
    w2_all = jnp.concatenate([W2, W2_self[None]], axis=0)

    src = edge_index[0]
    dst = edge_index[1]
    nid = jnp.arange(n, dtype=jnp.int32)
    keys_all = jnp.concatenate([rel_types * n + src, nr * n + nid])
    dst_all = jnp.concatenate([dst, nid])
    e_tot = keys_all.shape[0]

    nch1 = _round_up(-(-e_tot // (_NS * _K)), _NBUF)
    k2 = keys_all * 2
    keys1 = _pad_reshape(jnp.stack([k2, k2 + 1]), e_tot, nch1, False)
    dst1 = _pad_reshape(jnp.stack([dst_all, dst_all]), e_tot, nch1, True)

    eh = -(-e_tot // 2)
    nch2 = _round_up(-(-eh // (_NS * _K)), _NBUF)
    pad_tail = 2 * eh - e_tot
    keys_h = jnp.pad(keys_all, (0, pad_tail)).reshape(2, eh)
    dst_h = jnp.pad(dst_all, (0, pad_tail), constant_values=_PAD_DST).reshape(2, eh)
    keys2 = _pad_reshape(keys_h, eh, nch2, False)
    dst2 = _pad_reshape(dst_h, eh, nch2, True)

    zeros = jnp.zeros((_ZR_HI, 128), jnp.float32)

    proj1 = _stacked_mm(h, w1_all)
    table1 = proj1.reshape((nr + 1) * n * 2, 128)
    agg1 = _make_sc_accum(nch1, table1.shape[0])(
        table1, _combine_idx(keys1, dst1), zeros)

    proj2 = _relu_stacked_mm(agg1, b1.reshape(1, 256), w2_all)
    table2 = proj2.reshape((nr + 1) * n, 128)
    agg2 = _make_sc_accum(nch2, table2.shape[0])(
        table2, _combine_idx(keys2, dst2), zeros)

    return _final(agg2, b2.reshape(1, 128), Wc, bc.reshape(1, Wc.shape[1]))

# --- scband reference (transcript-rebuilt; emitter-appended) ---
"""Pipeline reference for scband-regression-72859825209450 (READ-ONLY COPY).

The authoritative reference and input builder live on the scoring server;
editing this copy changes nothing except your own understanding.
"""

import jax, jax.numpy as jnp
import numpy as np

N = 10000
E = 320000
IN = 128
H1 = 256
H2 = 128
R = 8
C = 8


def setup_inputs(seed: int = 0) -> dict:
    key = jax.random.key(seed)
    ks = jax.random.split(key, 12)
    h = jax.random.normal(ks[0], (N, IN), dtype=jnp.float32)
    edge_index = jax.random.randint(ks[1], (2, E), 0, N, dtype=jnp.int32)
    rel_types = jax.random.randint(ks[2], (E,), 0, R, dtype=jnp.int32)
    W1 = jax.random.normal(ks[3], (R, IN, H1), dtype=jnp.float32) * (1.0 / np.sqrt(IN))
    W1_self = jax.random.normal(ks[4], (IN, H1), dtype=jnp.float32) * (1.0 / np.sqrt(IN))
    b1 = jnp.zeros((H1,), dtype=jnp.float32)
    W2 = jax.random.normal(ks[5], (R, H1, H2), dtype=jnp.float32) * (1.0 / np.sqrt(H1))
    W2_self = jax.random.normal(ks[6], (H1, H2), dtype=jnp.float32) * (1.0 / np.sqrt(H1))
    b2 = jnp.zeros((H2,), dtype=jnp.float32)
    Wc = jax.random.normal(ks[7], (H2, C), dtype=jnp.float32) * (1.0 / np.sqrt(H2))
    bc = jnp.zeros((C,), dtype=jnp.float32)
    return {"h": h, "edge_index": edge_index, "rel_types": rel_types,
            "W1": W1, "W1_self": W1_self, "b1": b1,
            "W2": W2, "W2_self": W2_self, "b2": b2,
            "Wc": Wc, "bc": bc}


def _rgcn_layer(h, edge_index, rel_types, W, W_self, b, num_nodes):
    # RelGraphConv with per-relation weights (regularizer=None), sum aggregation,
    # self-loop weight and bias. Dropout is identity in eval mode.
    src = edge_index[0]
    dst = edge_index[1]
    # project node features once per relation, then gather per-edge: proj[r, n, :]
    proj = jnp.einsum('ni,rio->rno', h, W)            # [R, N, out]
    msg = proj[rel_types, src]                        # [E, out] gather (SparseCore)
    agg = jax.ops.segment_sum(msg, dst, num_segments=num_nodes)  # scatter-add
    return agg + h @ W_self + b


def reference(h, edge_index, rel_types, W1, W1_self, b1, W2, W2_self, b2, Wc, bc):
    h = h.astype(jnp.float32)
    h1 = jax.nn.relu(_rgcn_layer(h, edge_index, rel_types, W1, W1_self, b1, N))
    h2 = jax.nn.relu(_rgcn_layer(h1, edge_index, rel_types, W2, W2_self, b2, N))
    # dgl.mean_nodes over a single graph -> mean over all nodes, shape [1, H2]
    hg = jnp.mean(h2, axis=0, keepdims=True)
    logits = hg @ Wc + bc
    return jax.nn.softmax(logits, axis=1)

if __name__ == "__main__":
    import jax
    _d = setup_inputs()
    print(jax.jit(kernel)(*tuple(_d.values())))

</pallas_src>

<mosaic_0001>
#map = affine_map<(d0, d1) -> (0, 0)>
#map1 = affine_map<(d0, d1) -> (0, 0, 0)>
module attributes {stable_mosaic.version = 14 : i64} {
  func.func @sc_accum(%arg0: i32, %arg1: i32, %arg2: memref<90000x128xf32, #tpu.memory_space<hbm>>, %arg3: memref<2592x2x128xi32, #tpu.memory_space<hbm>>, %arg4: memref<632x128xf32, #tpu.memory_space<hbm>>, %arg5: memref<2x10000x128xf32, #tpu.memory_space<hbm>>, %arg6: memref<2x128xi32, #tpu.memory_space<vmem>>, %arg7: memref<2x128xi32, #tpu.memory_space<vmem>>, %arg8: memref<2x128xi32, #tpu.memory_space<vmem>>, %arg9: memref<128x128xf32, #tpu.memory_space<vmem>>, %arg10: memref<128x128xf32, #tpu.memory_space<vmem>>, %arg11: memref<128x128xf32, #tpu.memory_space<vmem>>, %arg12: memref<!tpu.dma_semaphore, #tpu.memory_space<semaphore_mem>>, %arg13: memref<!tpu.dma_semaphore, #tpu.memory_space<semaphore_mem>>, %arg14: memref<!tpu.dma_semaphore, #tpu.memory_space<semaphore_mem>>, %arg15: memref<!tpu.dma_semaphore, #tpu.memory_space<semaphore_mem>>, %arg16: memref<!tpu.dma_semaphore, #tpu.memory_space<semaphore_mem>>, %arg17: memref<!tpu.dma_semaphore, #tpu.memory_space<semaphore_mem>>, %arg18: memref<10064x128xf32, #tpu.memory_space<vmem_shared>>) attributes {dimension_semantics = [#tpu.dimension_semantics<core_parallel>, #tpu.dimension_semantics<subcore_parallel>], iteration_bounds = array<i64: 2, 16>, scalar_prefetch = 0 : i64, scratch_operands = 13 : i64, tpu.core_type = #tpu.core_type<sc_vector_subcore>, window_params = [{transform_indices = #map}, {transform_indices = #map1}, {transform_indices = #map}, {transform_indices = #map1}]} {
    %lt3A = arith.constant 15 : i32
    %lt3A_0 = arith.cmpi slt, %arg1, %lt3A : i32
    %convert_element_type3A = arith.extui %lt3A_0 : i1 to i32
    %cond3A = arith.constant 0 : i32
    %cond3A_1 = arith.cmpi ne, %convert_element_type3A, %cond3A : i32
    scf.if %cond3A_1 {
      %mul3A_61 = arith.constant 632 : i32
      %mul3A_62 = arith.muli %arg1, %mul3A_61 : i32
      "tpu.region"() ({
        %run_scoped3A = tpu.sem_alloc : memref<!tpu.dma_semaphore, #tpu.memory_space<semaphore_mem>>
        %dma_start3A_63 = arith.constant 0 : i32
        %dma_start3A_64 = tpu.memref_slice %arg18[%mul3A_62, %dma_start3A_63] : memref<10064x128xf32, #tpu.memory_space<vmem_shared>> -> memref<632x128xf32, #tpu.memory_space<vmem_shared>>
        tpu.enqueue_dma source(%arg4 : memref<632x128xf32, #tpu.memory_space<hbm>>) target(%dma_start3A_64 : memref<632x128xf32, #tpu.memory_space<vmem_shared>>) target_semaphore(%run_scoped3A : memref<!tpu.dma_semaphore, #tpu.memory_space<semaphore_mem>>)
        %dma_wait3A_65 = arith.constant 0 : i32
        %dma_wait3A_66 = tpu.memref_slice %arg18[%mul3A_62, %dma_wait3A_65] : memref<10064x128xf32, #tpu.memory_space<vmem_shared>> -> memref<632x128xf32, #tpu.memory_space<vmem_shared>>
        tpu.wait_dma2 semaphore(%run_scoped3A : memref<!tpu.dma_semaphore, #tpu.memory_space<semaphore_mem>>) src(%arg4 : memref<632x128xf32, #tpu.memory_space<hbm>>) dst(%dma_wait3A_66 : memref<632x128xf32, #tpu.memory_space<vmem_shared>>)
        tpu.yield
      }) : () -> ()
    } else {
    }
    %eq3A = arith.constant 15 : i32
    %eq3A_2 = arith.cmpi eq, %arg1, %eq3A : i32
    %convert_element_type3A_3 = arith.extui %eq3A_2 : i1 to i32
    %cond3A_4 = arith.constant 0 : i32
    %cond3A_5 = arith.cmpi ne, %convert_element_type3A_3, %cond3A_4 : i32
    scf.if %cond3A_5 {
      "tpu.region"() ({
        %run_scoped3A = tpu.sem_alloc : memref<!tpu.dma_semaphore, #tpu.memory_space<semaphore_mem>>
        %dma_start3A_61 = arith.constant 9480 : i32
        %dma_start3A_62 = arith.constant 0 : i32
        %dma_start3A_63 = tpu.memref_slice %arg18[%dma_start3A_61, %dma_start3A_62] : memref<10064x128xf32, #tpu.memory_space<vmem_shared>> -> memref<584x128xf32, #tpu.memory_space<vmem_shared>>
        %dma_start3A_64 = arith.constant 0 : i32
        %dma_start3A_65 = arith.constant 0 : i32
        %dma_start3A_66 = tpu.memref_slice %arg4[%dma_start3A_64, %dma_start3A_65] : memref<632x128xf32, #tpu.memory_space<hbm>> -> memref<584x128xf32, #tpu.memory_space<hbm>>
        tpu.enqueue_dma source(%dma_start3A_66 : memref<584x128xf32, #tpu.memory_space<hbm>>) target(%dma_start3A_63 : memref<584x128xf32, #tpu.memory_space<vmem_shared>>) target_semaphore(%run_scoped3A : memref<!tpu.dma_semaphore, #tpu.memory_space<semaphore_mem>>)
        %dma_wait3A_67 = arith.constant 9480 : i32
        %dma_wait3A_68 = arith.constant 0 : i32
        %dma_wait3A_69 = tpu.memref_slice %arg18[%dma_wait3A_67, %dma_wait3A_68] : memref<10064x128xf32, #tpu.memory_space<vmem_shared>> -> memref<584x128xf32, #tpu.memory_space<vmem_shared>>
        %dma_wait3A_70 = arith.constant 0 : i32
        %dma_wait3A_71 = arith.constant 0 : i32
        %dma_wait3A_72 = tpu.memref_slice %arg4[%dma_wait3A_70, %dma_wait3A_71] : memref<632x128xf32, #tpu.memory_space<hbm>> -> memref<584x128xf32, #tpu.memory_space<hbm>>
        tpu.wait_dma2 semaphore(%run_scoped3A : memref<!tpu.dma_semaphore, #tpu.memory_space<semaphore_mem>>) src(%dma_wait3A_72 : memref<584x128xf32, #tpu.memory_space<hbm>>) dst(%dma_wait3A_69 : memref<584x128xf32, #tpu.memory_space<vmem_shared>>)
        tpu.yield
      }) : () -> ()
    } else {
    }
    %barrier3A = arith.constant 0 : index
    tpu.barrier barrier_id(%barrier3A)
    %mul3A = arith.constant 16 : i32
    %mul3A_6 = arith.muli %arg0, %mul3A : i32
    %add3A = arith.addi %mul3A_6, %arg1 : i32
    %mul3A_7 = arith.constant 81 : i32
    %mul3A_8 = arith.muli %add3A, %mul3A_7 : i32
    %add3A_9 = arith.constant 0 : i32
    %add3A_10 = arith.addi %mul3A_8, %add3A_9 : i32
    "tpu.region"() ({
      %run_scoped3A = tpu.sem_alloc : memref<!tpu.dma_semaphore, #tpu.memory_space<semaphore_mem>>
      %dma_start3A_61 = arith.constant 0 : i32
      %dma_start3A_62 = arith.constant 0 : i32
      %dma_start3A_63 = tpu.memref_slice %arg3[%add3A_10, %dma_start3A_61, %dma_start3A_62] : memref<2592x2x128xi32, #tpu.memory_space<hbm>> -> memref<1x2x128xi32, #tpu.memory_space<hbm>>
      %dma_start3A_64 = tpu.memref_squeeze %dma_start3A_63 : memref<1x2x128xi32, #tpu.memory_space<hbm>> -> memref<2x128xi32, #tpu.memory_space<hbm>>
      %dma_start3A_65 = arith.constant 0 : i32
      %dma_start3A_66 = arith.constant 0 : i32
      %dma_start3A_67 = tpu.memref_slice %arg3[%add3A_10, %dma_start3A_65, %dma_start3A_66] : memref<2592x2x128xi32, #tpu.memory_space<hbm>> -> memref<1x2x128xi32, #tpu.memory_space<hbm>>
      %dma_start3A_68 = tpu.memref_squeeze %dma_start3A_67 : memref<1x2x128xi32, #tpu.memory_space<hbm>> -> memref<2x128xi32, #tpu.memory_space<hbm>>
      tpu.enqueue_dma source(%dma_start3A_68 : memref<2x128xi32, #tpu.memory_space<hbm>>) target(%arg6 : memref<2x128xi32, #tpu.memory_space<vmem>>) target_semaphore(%run_scoped3A : memref<!tpu.dma_semaphore, #tpu.memory_space<semaphore_mem>>)
      %dma_wait3A_69 = arith.constant 0 : i32
      %dma_wait3A_70 = arith.constant 0 : i32
      %dma_wait3A_71 = tpu.memref_slice %arg3[%add3A_10, %dma_wait3A_69, %dma_wait3A_70] : memref<2592x2x128xi32, #tpu.memory_space<hbm>> -> memref<1x2x128xi32, #tpu.memory_space<hbm>>
      %dma_wait3A_72 = tpu.memref_squeeze %dma_wait3A_71 : memref<1x2x128xi32, #tpu.memory_space<hbm>> -> memref<2x128xi32, #tpu.memory_space<hbm>>
      %dma_wait3A_73 = arith.constant 0 : i32
      %dma_wait3A_74 = arith.constant 0 : i32
      %dma_wait3A_75 = tpu.memref_slice %arg3[%add3A_10, %dma_wait3A_73, %dma_wait3A_74] : memref<2592x2x128xi32, #tpu.memory_space<hbm>> -> memref<1x2x128xi32, #tpu.memory_space<hbm>>
      %dma_wait3A_76 = tpu.memref_squeeze %dma_wait3A_75 : memref<1x2x128xi32, #tpu.memory_space<hbm>> -> memref<2x128xi32, #tpu.memory_space<hbm>>
      tpu.wait_dma2 semaphore(%run_scoped3A : memref<!tpu.dma_semaphore, #tpu.memory_space<semaphore_mem>>) src(%dma_wait3A_76 : memref<2x128xi32, #tpu.memory_space<hbm>>) dst(%arg6 : memref<2x128xi32, #tpu.memory_space<vmem>>)
      tpu.yield
    }) : () -> ()
    %dma_start3A = arith.constant 0 : i32
    %dma_start3A_11 = arith.constant 0 : i32
    %dma_start3A_12 = tpu.memref_slice %arg6[%dma_start3A, %dma_start3A_11] : memref<2x128xi32, #tpu.memory_space<vmem>> -> memref<1x128xi32, #tpu.memory_space<vmem>>
    %dma_start3A_13 = tpu.memref_squeeze %dma_start3A_12 : memref<1x128xi32, #tpu.memory_space<vmem>> -> memref<128xi32, #tpu.memory_space<vmem>>
    %dma_start3A_14 = arith.constant 0 : i32
    %dma_start3A_15 = arith.constant 0 : i32
    %dma_start3A_16 = tpu.memref_slice %arg2[%dma_start3A_14, %dma_start3A_15] : memref<90000x128xf32, #tpu.memory_space<hbm>> -> memref<90000x128xf32, #tpu.memory_space<hbm>>
    tpu.enqueue_indirect_dma source(%dma_start3A_16 : memref<90000x128xf32, #tpu.memory_space<hbm>>) target(%arg9 : memref<128x128xf32, #tpu.memory_space<vmem>>) offsets(%dma_start3A_13 : memref<128xi32, #tpu.memory_space<vmem>>) semaphore(%arg12 : memref<!tpu.dma_semaphore, #tpu.memory_space<semaphore_mem>>)
    %add3A_17 = arith.constant 1 : i32
    %add3A_18 = arith.addi %mul3A_8, %add3A_17 : i32
    "tpu.region"() ({
      %run_scoped3A = tpu.sem_alloc : memref<!tpu.dma_semaphore, #tpu.memory_space<semaphore_mem>>
      %dma_start3A_61 = arith.constant 0 : i32
      %dma_start3A_62 = arith.constant 0 : i32
      %dma_start3A_63 = tpu.memref_slice %arg3[%add3A_18, %dma_start3A_61, %dma_start3A_62] : memref<2592x2x128xi32, #tpu.memory_space<hbm>> -> memref<1x2x128xi32, #tpu.memory_space<hbm>>
      %dma_start3A_64 = tpu.memref_squeeze %dma_start3A_63 : memref<1x2x128xi32, #tpu.memory_space<hbm>> -> memref<2x128xi32, #tpu.memory_space<hbm>>
      %dma_start3A_65 = arith.constant 0 : i32
      %dma_start3A_66 = arith.constant 0 : i32
      %dma_start3A_67 = tpu.memref_slice %arg3[%add3A_18, %dma_start3A_65, %dma_start3A_66] : memref<2592x2x128xi32, #tpu.memory_space<hbm>> -> memref<1x2x128xi32, #tpu.memory_space<hbm>>
      %dma_start3A_68 = tpu.memref_squeeze %dma_start3A_67 : memref<1x2x128xi32, #tpu.memory_space<hbm>> -> memref<2x128xi32, #tpu.memory_space<hbm>>
      tpu.enqueue_dma source(%dma_start3A_68 : memref<2x128xi32, #tpu.memory_space<hbm>>) target(%arg7 : memref<2x128xi32, #tpu.memory_space<vmem>>) target_semaphore(%run_scoped3A : memref<!tpu.dma_semaphore, #tpu.memory_space<semaphore_mem>>)
      %dma_wait3A_69 = arith.constant 0 : i32
      %dma_wait3A_70 = arith.constant 0 : i32
      %dma_wait3A_71 = tpu.memref_slice %arg3[%add3A_18, %dma_wait3A_69, %dma_wait3A_70] : memref<2592x2x128xi32, #tpu.memory_space<hbm>> -> memref<1x2x128xi32, #tpu.memory_space<hbm>>
      %dma_wait3A_72 = tpu.memref_squeeze %dma_wait3A_71 : memref<1x2x128xi32, #tpu.memory_space<hbm>> -> memref<2x128xi32, #tpu.memory_space<hbm>>
      %dma_wait3A_73 = arith.constant 0 : i32
      %dma_wait3A_74 = arith.constant 0 : i32
      %dma_wait3A_75 = tpu.memref_slice %arg3[%add3A_18, %dma_wait3A_73, %dma_wait3A_74] : memref<2592x2x128xi32, #tpu.memory_space<hbm>> -> memref<1x2x128xi32, #tpu.memory_space<hbm>>
      %dma_wait3A_76 = tpu.memref_squeeze %dma_wait3A_75 : memref<1x2x128xi32, #tpu.memory_space<hbm>> -> memref<2x128xi32, #tpu.memory_space<hbm>>
      tpu.wait_dma2 semaphore(%run_scoped3A : memref<!tpu.dma_semaphore, #tpu.memory_space<semaphore_mem>>) src(%dma_wait3A_76 : memref<2x128xi32, #tpu.memory_space<hbm>>) dst(%arg7 : memref<2x128xi32, #tpu.memory_space<vmem>>)
      tpu.yield
    }) : () -> ()
    %dma_start3A_19 = arith.constant 0 : i32
    %dma_start3A_20 = arith.constant 0 : i32
    %dma_start3A_21 = tpu.memref_slice %arg7[%dma_start3A_19, %dma_start3A_20] : memref<2x128xi32, #tpu.memory_space<vmem>> -> memref<1x128xi32, #tpu.memory_space<vmem>>
    %dma_start3A_22 = tpu.memref_squeeze %dma_start3A_21 : memref<1x128xi32, #tpu.memory_space<vmem>> -> memref<128xi32, #tpu.memory_space<vmem>>
    %dma_start3A_23 = arith.constant 0 : i32
    %dma_start3A_24 = arith.constant 0 : i32
    %dma_start3A_25 = tpu.memref_slice %arg2[%dma_start3A_23, %dma_start3A_24] : memref<90000x128xf32, #tpu.memory_space<hbm>> -> memref<90000x128xf32, #tpu.memory_space<hbm>>
    tpu.enqueue_indirect_dma source(%dma_start3A_25 : memref<90000x128xf32, #tpu.memory_space<hbm>>) target(%arg10 : memref<128x128xf32, #tpu.memory_space<vmem>>) offsets(%dma_start3A_22 : memref<128xi32, #tpu.memory_space<vmem>>) semaphore(%arg13 : memref<!tpu.dma_semaphore, #tpu.memory_space<semaphore_mem>>)
    %scan3A = arith.constant 0 : i32
    %scan3A_26 = arith.constant 27 : i32
    %scan3A_27 = arith.addi %scan3A, %scan3A_26 : i32
    %scan3A_28 = arith.constant 1 : i32
    scf.for %scan3A_61 = %scan3A to %scan3A_27 step %scan3A_28  : i32 {
      %mul3A_62 = arith.constant 3 : i32
      %mul3A_63 = arith.muli %scan3A_61, %mul3A_62 : i32
      %add3A_64 = arith.constant 0 : i32
      %add3A_65 = arith.addi %add3A_64, %mul3A_63 : i32
      %add3A_66 = arith.constant 0 : i32
      %add3A_67 = arith.addi %add3A_65, %add3A_66 : i32
      %dma_wait3A_68 = arith.constant 0 : i32
      %dma_wait3A_69 = arith.constant 0 : i32
      %dma_wait3A_70 = tpu.memref_slice %arg6[%dma_wait3A_68, %dma_wait3A_69] : memref<2x128xi32, #tpu.memory_space<vmem>> -> memref<1x128xi32, #tpu.memory_space<vmem>>
      %dma_wait3A_71 = tpu.memref_squeeze %dma_wait3A_70 : memref<1x128xi32, #tpu.memory_space<vmem>> -> memref<128xi32, #tpu.memory_space<vmem>>
      %dma_wait3A_72 = arith.constant 0 : i32
      %dma_wait3A_73 = arith.constant 0 : i32
      %dma_wait3A_74 = tpu.memref_slice %arg2[%dma_wait3A_72, %dma_wait3A_73] : memref<90000x128xf32, #tpu.memory_space<hbm>> -> memref<90000x128xf32, #tpu.memory_space<hbm>>
      tpu.wait_indirect_dma semaphore(%arg12 : memref<!tpu.dma_semaphore, #tpu.memory_space<semaphore_mem>>) src(%dma_wait3A_74 : memref<90000x128xf32, #tpu.memory_space<hbm>>) dst(%arg9 : memref<128x128xf32, #tpu.memory_space<vmem>>)
      %dma_start3A_75 = arith.constant 1 : i32
      %dma_start3A_76 = arith.constant 0 : i32
      %dma_start3A_77 = tpu.memref_slice %arg6[%dma_start3A_75, %dma_start3A_76] : memref<2x128xi32, #tpu.memory_space<vmem>> -> memref<1x128xi32, #tpu.memory_space<vmem>>
      %dma_start3A_78 = tpu.memref_squeeze %dma_start3A_77 : memref<1x128xi32, #tpu.memory_space<vmem>> -> memref<128xi32, #tpu.memory_space<vmem>>
      %dma_start3A_79 = arith.constant 0 : i32
      %dma_start3A_80 = arith.constant 0 : i32
      %dma_start3A_81 = tpu.memref_slice %arg18[%dma_start3A_79, %dma_start3A_80] : memref<10064x128xf32, #tpu.memory_space<vmem_shared>> -> memref<10064x128xf32, #tpu.memory_space<vmem_shared>>
      tpu.enqueue_indirect_dma source(%arg9 : memref<128x128xf32, #tpu.memory_space<vmem>>) target(%dma_start3A_81 : memref<10064x128xf32, #tpu.memory_space<vmem_shared>>) offsets(%dma_start3A_78 : memref<128xi32, #tpu.memory_space<vmem>>) semaphore(%arg15 : memref<!tpu.dma_semaphore, #tpu.memory_space<semaphore_mem>>) {add = true}
      %add3A_82 = arith.constant 2 : i32
      %add3A_83 = arith.addi %add3A_67, %add3A_82 : i32
      %lt3A_84 = arith.constant 81 : i32
      %lt3A_85 = arith.cmpi slt, %add3A_83, %lt3A_84 : i32
      %convert_element_type3A_86 = arith.extui %lt3A_85 : i1 to i32
      %cond3A_87 = arith.constant 0 : i32
      %cond3A_88 = arith.cmpi ne, %convert_element_type3A_86, %cond3A_87 : i32
      scf.if %cond3A_88 {
        %ge3A = arith.constant 3 : i32
        %ge3A_135 = arith.cmpi sge, %add3A_83, %ge3A : i32
        %convert_element_type3A_136 = arith.extui %ge3A_135 : i1 to i32
        %cond3A_137 = arith.constant 0 : i32
        %cond3A_138 = arith.cmpi ne, %convert_element_type3A_136, %cond3A_137 : i32
        scf.if %cond3A_138 {
          %dma_wait3A_147 = arith.constant 1 : i32
          %dma_wait3A_148 = arith.constant 0 : i32
          %dma_wait3A_149 = tpu.memref_slice %arg8[%dma_wait3A_147, %dma_wait3A_148] : memref<2x128xi32, #tpu.memory_space<vmem>> -> memref<1x128xi32, #tpu.memory_space<vmem>>
          %dma_wait3A_150 = tpu.memref_squeeze %dma_wait3A_149 : memref<1x128xi32, #tpu.memory_space<vmem>> -> memref<128xi32, #tpu.memory_space<vmem>>
          %dma_wait3A_151 = arith.constant 0 : i32
          %dma_wait3A_152 = arith.constant 0 : i32
          %dma_wait3A_153 = tpu.memref_slice %arg18[%dma_wait3A_151, %dma_wait3A_152] : memref<10064x128xf32, #tpu.memory_space<vmem_shared>> -> memref<10064x128xf32, #tpu.memory_space<vmem_shared>>
          tpu.wait_indirect_dma semaphore(%arg17 : memref<!tpu.dma_semaphore, #tpu.memory_space<semaphore_mem>>) src(%arg11 : memref<128x128xf32, #tpu.memory_space<vmem>>) dst(%dma_wait3A_153 : memref<10064x128xf32, #tpu.memory_space<vmem_shared>>)
        } else {
        }
        %add3A_139 = arith.addi %mul3A_8, %add3A_83 : i32
        "tpu.region"() ({
          %run_scoped3A = tpu.sem_alloc : memref<!tpu.dma_semaphore, #tpu.memory_space<semaphore_mem>>
          %dma_start3A_147 = arith.constant 0 : i32
          %dma_start3A_148 = arith.constant 0 : i32
          %dma_start3A_149 = tpu.memref_slice %arg3[%add3A_139, %dma_start3A_147, %dma_start3A_148] : memref<2592x2x128xi32, #tpu.memory_space<hbm>> -> memref<1x2x128xi32, #tpu.memory_space<hbm>>
          %dma_start3A_150 = tpu.memref_squeeze %dma_start3A_149 : memref<1x2x128xi32, #tpu.memory_space<hbm>> -> memref<2x128xi32, #tpu.memory_space<hbm>>
          %dma_start3A_151 = arith.constant 0 : i32
          %dma_start3A_152 = arith.constant 0 : i32
          %dma_start3A_153 = tpu.memref_slice %arg3[%add3A_139, %dma_start3A_151, %dma_start3A_152] : memref<2592x2x128xi32, #tpu.memory_space<hbm>> -> memref<1x2x128xi32, #tpu.memory_space<hbm>>
          %dma_start3A_154 = tpu.memref_squeeze %dma_start3A_153 : memref<1x2x128xi32, #tpu.memory_space<hbm>> -> memref<2x128xi32, #tpu.memory_space<hbm>>
          tpu.enqueue_dma source(%dma_start3A_154 : memref<2x128xi32, #tpu.memory_space<hbm>>) target(%arg8 : memref<2x128xi32, #tpu.memory_space<vmem>>) target_semaphore(%run_scoped3A : memref<!tpu.dma_semaphore, #tpu.memory_space<semaphore_mem>>)
          %dma_wait3A_155 = arith.constant 0 : i32
          %dma_wait3A_156 = arith.constant 0 : i32
          %dma_wait3A_157 = tpu.memref_slice %arg3[%add3A_139, %dma_wait3A_155, %dma_wait3A_156] : memref<2592x2x128xi32, #tpu.memory_space<hbm>> -> memref<1x2x128xi32, #tpu.memory_space<hbm>>
          %dma_wait3A_158 = tpu.memref_squeeze %dma_wait3A_157 : memref<1x2x128xi32, #tpu.memory_space<hbm>> -> memref<2x128xi32, #tpu.memory_space<hbm>>
          %dma_wait3A_159 = arith.constant 0 : i32
          %dma_wait3A_160 = arith.constant 0 : i32
          %dma_wait3A_161 = tpu.memref_slice %arg3[%add3A_139, %dma_wait3A_159, %dma_wait3A_160] : memref<2592x2x128xi32, #tpu.memory_space<hbm>> -> memref<1x2x128xi32, #tpu.memory_space<hbm>>
          %dma_wait3A_162 = tpu.memref_squeeze %dma_wait3A_161 : memref<1x2x128xi32, #tpu.memory_space<hbm>> -> memref<2x128xi32, #tpu.memory_space<hbm>>
          tpu.wait_dma2 semaphore(%run_scoped3A : memref<!tpu.dma_semaphore, #tpu.memory_space<semaphore_mem>>) src(%dma_wait3A_162 : memref<2x128xi32, #tpu.memory_space<hbm>>) dst(%arg8 : memref<2x128xi32, #tpu.memory_space<vmem>>)
          tpu.yield
        }) : () -> ()
        %dma_start3A_140 = arith.constant 0 : i32
        %dma_start3A_141 = arith.constant 0 : i32
        %dma_start3A_142 = tpu.memref_slice %arg8[%dma_start3A_140, %dma_start3A_141] : memref<2x128xi32, #tpu.memory_space<vmem>> -> memref<1x128xi32, #tpu.memory_space<vmem>>
        %dma_start3A_143 = tpu.memref_squeeze %dma_start3A_142 : memref<1x128xi32, #tpu.memory_space<vmem>> -> memref<128xi32, #tpu.memory_space<vmem>>
        %dma_start3A_144 = arith.constant 0 : i32
        %dma_start3A_145 = arith.constant 0 : i32
        %dma_start3A_146 = tpu.memref_slice %arg2[%dma_start3A_144, %dma_start3A_145] : memref<90000x128xf32, #tpu.memory_space<hbm>> -> memref<90000x128xf32, #tpu.memory_space<hbm>>
        tpu.enqueue_indirect_dma source(%dma_start3A_146 : memref<90000x128xf32, #tpu.memory_space<hbm>>) target(%arg11 : memref<128x128xf32, #tpu.memory_space<vmem>>) offsets(%dma_start3A_143 : memref<128xi32, #tpu.memory_space<vmem>>) semaphore(%arg14 : memref<!tpu.dma_semaphore, #tpu.memory_space<semaphore_mem>>)
      } else {
      }
      %add3A_89 = arith.constant 1 : i32
      %add3A_90 = arith.addi %add3A_65, %add3A_89 : i32
      %dma_wait3A_91 = arith.constant 0 : i32
      %dma_wait3A_92 = arith.constant 0 : i32
      %dma_wait3A_93 = tpu.memref_slice %arg7[%dma_wait3A_91, %dma_wait3A_92] : memref<2x128xi32, #tpu.memory_space<vmem>> -> memref<1x128xi32, #tpu.memory_space<vmem>>
      %dma_wait3A_94 = tpu.memref_squeeze %dma_wait3A_93 : memref<1x128xi32, #tpu.memory_space<vmem>> -> memref<128xi32, #tpu.memory_space<vmem>>
      %dma_wait3A_95 = arith.constant 0 : i32
      %dma_wait3A_96 = arith.constant 0 : i32
      %dma_wait3A_97 = tpu.memref_slice %arg2[%dma_wait3A_95, %dma_wait3A_96] : memref<90000x128xf32, #tpu.memory_space<hbm>> -> memref<90000x128xf32, #tpu.memory_space<hbm>>
      tpu.wait_indirect_dma semaphore(%arg13 : memref<!tpu.dma_semaphore, #tpu.memory_space<semaphore_mem>>) src(%dma_wait3A_97 : memref<90000x128xf32, #tpu.memory_space<hbm>>) dst(%arg10 : memref<128x128xf32, #tpu.memory_space<vmem>>)
      %dma_start3A_98 = arith.constant 1 : i32
      %dma_start3A_99 = arith.constant 0 : i32
      %dma_start3A_100 = tpu.memref_slice %arg7[%dma_start3A_98, %dma_start3A_99] : memref<2x128xi32, #tpu.memory_space<vmem>> -> memref<1x128xi32, #tpu.memory_space<vmem>>
      %dma_start3A_101 = tpu.memref_squeeze %dma_start3A_100 : memref<1x128xi32, #tpu.memory_space<vmem>> -> memref<128xi32, #tpu.memory_space<vmem>>
      %dma_start3A_102 = arith.constant 0 : i32
      %dma_start3A_103 = arith.constant 0 : i32
      %dma_start3A_104 = tpu.memref_slice %arg18[%dma_start3A_102, %dma_start3A_103] : memref<10064x128xf32, #tpu.memory_space<vmem_shared>> -> memref<10064x128xf32, #tpu.memory_space<vmem_shared>>
      tpu.enqueue_indirect_dma source(%arg10 : memref<128x128xf32, #tpu.memory_space<vmem>>) target(%dma_start3A_104 : memref<10064x128xf32, #tpu.memory_space<vmem_shared>>) offsets(%dma_start3A_101 : memref<128xi32, #tpu.memory_space<vmem>>) semaphore(%arg16 : memref<!tpu.dma_semaphore, #tpu.memory_space<semaphore_mem>>) {add = true}
      %add3A_105 = arith.constant 2 : i32
      %add3A_106 = arith.addi %add3A_90, %add3A_105 : i32
      %lt3A_107 = arith.constant 81 : i32
      %lt3A_108 = arith.cmpi slt, %add3A_106, %lt3A_107 : i32
      %convert_element_type3A_109 = arith.extui %lt3A_108 : i1 to i32
      %cond3A_110 = arith.constant 0 : i32
      %cond3A_111 = arith.cmpi ne, %convert_element_type3A_109, %cond3A_110 : i32
      scf.if %cond3A_111 {
        %ge3A = arith.constant 3 : i32
        %ge3A_135 = arith.cmpi sge, %add3A_106, %ge3A : i32
        %convert_element_type3A_136 = arith.extui %ge3A_135 : i1 to i32
        %cond3A_137 = arith.constant 0 : i32
        %cond3A_138 = arith.cmpi ne, %convert_element_type3A_136, %cond3A_137 : i32
        scf.if %cond3A_138 {
          %dma_wait3A_147 = arith.constant 1 : i32
          %dma_wait3A_148 = arith.constant 0 : i32
          %dma_wait3A_149 = tpu.memref_slice %arg6[%dma_wait3A_147, %dma_wait3A_148] : memref<2x128xi32, #tpu.memory_space<vmem>> -> memref<1x128xi32, #tpu.memory_space<vmem>>
          %dma_wait3A_150 = tpu.memref_squeeze %dma_wait3A_149 : memref<1x128xi32, #tpu.memory_space<vmem>> -> memref<128xi32, #tpu.memory_space<vmem>>
          %dma_wait3A_151 = arith.constant 0 : i32
          %dma_wait3A_152 = arith.constant 0 : i32
          %dma_wait3A_153 = tpu.memref_slice %arg18[%dma_wait3A_151, %dma_wait3A_152] : memref<10064x128xf32, #tpu.memory_space<vmem_shared>> -> memref<10064x128xf32, #tpu.memory_space<vmem_shared>>
          tpu.wait_indirect_dma semaphore(%arg15 : memref<!tpu.dma_semaphore, #tpu.memory_space<semaphore_mem>>) src(%arg9 : memref<128x128xf32, #tpu.memory_space<vmem>>) dst(%dma_wait3A_153 : memref<10064x128xf32, #tpu.memory_space<vmem_shared>>)
        } else {
        }
        %add3A_139 = arith.addi %mul3A_8, %add3A_106 : i32
        "tpu.region"() ({
          %run_scoped3A = tpu.sem_alloc : memref<!tpu.dma_semaphore, #tpu.memory_space<semaphore_mem>>
          %dma_start3A_147 = arith.constant 0 : i32
          %dma_start3A_148 = arith.constant 0 : i32
          %dma_start3A_149 = tpu.memref_slice %arg3[%add3A_139, %dma_start3A_147, %dma_start3A_148] : memref<2592x2x128xi32, #tpu.memory_space<hbm>> -> memref<1x2x128xi32, #tpu.memory_space<hbm>>
          %dma_start3A_150 = tpu.memref_squeeze %dma_start3A_149 : memref<1x2x128xi32, #tpu.memory_space<hbm>> -> memref<2x128xi32, #tpu.memory_space<hbm>>
          %dma_start3A_151 = arith.constant 0 : i32
          %dma_start3A_152 = arith.constant 0 : i32
          %dma_start3A_153 = tpu.memref_slice %arg3[%add3A_139, %dma_start3A_151, %dma_start3A_152] : memref<2592x2x128xi32, #tpu.memory_space<hbm>> -> memref<1x2x128xi32, #tpu.memory_space<hbm>>
          %dma_start3A_154 = tpu.memref_squeeze %dma_start3A_153 : memref<1x2x128xi32, #tpu.memory_space<hbm>> -> memref<2x128xi32, #tpu.memory_space<hbm>>
          tpu.enqueue_dma source(%dma_start3A_154 : memref<2x128xi32, #tpu.memory_space<hbm>>) target(%arg6 : memref<2x128xi32, #tpu.memory_space<vmem>>) target_semaphore(%run_scoped3A : memref<!tpu.dma_semaphore, #tpu.memory_space<semaphore_mem>>)
          %dma_wait3A_155 = arith.constant 0 : i32
          %dma_wait3A_156 = arith.constant 0 : i32
          %dma_wait3A_157 = tpu.memref_slice %arg3[%add3A_139, %dma_wait3A_155, %dma_wait3A_156] : memref<2592x2x128xi32, #tpu.memory_space<hbm>> -> memref<1x2x128xi32, #tpu.memory_space<hbm>>
          %dma_wait3A_158 = tpu.memref_squeeze %dma_wait3A_157 : memref<1x2x128xi32, #tpu.memory_space<hbm>> -> memref<2x128xi32, #tpu.memory_space<hbm>>
          %dma_wait3A_159 = arith.constant 0 : i32
          %dma_wait3A_160 = arith.constant 0 : i32
          %dma_wait3A_161 = tpu.memref_slice %arg3[%add3A_139, %dma_wait3A_159, %dma_wait3A_160] : memref<2592x2x128xi32, #tpu.memory_space<hbm>> -> memref<1x2x128xi32, #tpu.memory_space<hbm>>
          %dma_wait3A_162 = tpu.memref_squeeze %dma_wait3A_161 : memref<1x2x128xi32, #tpu.memory_space<hbm>> -> memref<2x128xi32, #tpu.memory_space<hbm>>
          tpu.wait_dma2 semaphore(%run_scoped3A : memref<!tpu.dma_semaphore, #tpu.memory_space<semaphore_mem>>) src(%dma_wait3A_162 : memref<2x128xi32, #tpu.memory_space<hbm>>) dst(%arg6 : memref<2x128xi32, #tpu.memory_space<vmem>>)
          tpu.yield
        }) : () -> ()
        %dma_start3A_140 = arith.constant 0 : i32
        %dma_start3A_141 = arith.constant 0 : i32
        %dma_start3A_142 = tpu.memref_slice %arg6[%dma_start3A_140, %dma_start3A_141] : memref<2x128xi32, #tpu.memory_space<vmem>> -> memref<1x128xi32, #tpu.memory_space<vmem>>
        %dma_start3A_143 = tpu.memref_squeeze %dma_start3A_142 : memref<1x128xi32, #tpu.memory_space<vmem>> -> memref<128xi32, #tpu.memory_space<vmem>>
        %dma_start3A_144 = arith.constant 0 : i32
        %dma_start3A_145 = arith.constant 0 : i32
        %dma_start3A_146 = tpu.memref_slice %arg2[%dma_start3A_144, %dma_start3A_145] : memref<90000x128xf32, #tpu.memory_space<hbm>> -> memref<90000x128xf32, #tpu.memory_space<hbm>>
        tpu.enqueue_indirect_dma source(%dma_start3A_146 : memref<90000x128xf32, #tpu.memory_space<hbm>>) target(%arg9 : memref<128x128xf32, #tpu.memory_space<vmem>>) offsets(%dma_start3A_143 : memref<128xi32, #tpu.memory_space<vmem>>) semaphore(%arg12 : memref<!tpu.dma_semaphore, #tpu.memory_space<semaphore_mem>>)
      } else {
      }
      %add3A_112 = arith.constant 2 : i32
      %add3A_113 = arith.addi %add3A_65, %add3A_112 : i32
      %dma_wait3A_114 = arith.constant 0 : i32
      %dma_wait3A_115 = arith.constant 0 : i32
      %dma_wait3A_116 = tpu.memref_slice %arg8[%dma_wait3A_114, %dma_wait3A_115] : memref<2x128xi32, #tpu.memory_space<vmem>> -> memref<1x128xi32, #tpu.memory_space<vmem>>
      %dma_wait3A_117 = tpu.memref_squeeze %dma_wait3A_116 : memref<1x128xi32, #tpu.memory_space<vmem>> -> memref<128xi32, #tpu.memory_space<vmem>>
      %dma_wait3A_118 = arith.constant 0 : i32
      %dma_wait3A_119 = arith.constant 0 : i32
      %dma_wait3A_120 = tpu.memref_slice %arg2[%dma_wait3A_118, %dma_wait3A_119] : memref<90000x128xf32, #tpu.memory_space<hbm>> -> memref<90000x128xf32, #tpu.memory_space<hbm>>
      tpu.wait_indirect_dma semaphore(%arg14 : memref<!tpu.dma_semaphore, #tpu.memory_space<semaphore_mem>>) src(%dma_wait3A_120 : memref<90000x128xf32, #tpu.memory_space<hbm>>) dst(%arg11 : memref<128x128xf32, #tpu.memory_space<vmem>>)
      %dma_start3A_121 = arith.constant 1 : i32
      %dma_start3A_122 = arith.constant 0 : i32
      %dma_start3A_123 = tpu.memref_slice %arg8[%dma_start3A_121, %dma_start3A_122] : memref<2x128xi32, #tpu.memory_space<vmem>> -> memref<1x128xi32, #tpu.memory_space<vmem>>
      %dma_start3A_124 = tpu.memref_squeeze %dma_start3A_123 : memref<1x128xi32, #tpu.memory_space<vmem>> -> memref<128xi32, #tpu.memory_space<vmem>>
      %dma_start3A_125 = arith.constant 0 : i32
      %dma_start3A_126 = arith.constant 0 : i32
      %dma_start3A_127 = tpu.memref_slice %arg18[%dma_start3A_125, %dma_start3A_126] : memref<10064x128xf32, #tpu.memory_space<vmem_shared>> -> memref<10064x128xf32, #tpu.memory_space<vmem_shared>>
      tpu.enqueue_indirect_dma source(%arg11 : memref<128x128xf32, #tpu.memory_space<vmem>>) target(%dma_start3A_127 : memref<10064x128xf32, #tpu.memory_space<vmem_shared>>) offsets(%dma_start3A_124 : memref<128xi32, #tpu.memory_space<vmem>>) semaphore(%arg17 : memref<!tpu.dma_semaphore, #tpu.memory_space<semaphore_mem>>) {add = true}
      %add3A_128 = arith.constant 2 : i32
      %add3A_129 = arith.addi %add3A_113, %add3A_128 : i32
      %lt3A_130 = arith.constant 81 : i32
      %lt3A_131 = arith.cmpi slt, %add3A_129, %lt3A_130 : i32
      %convert_element_type3A_132 = arith.extui %lt3A_131 : i1 to i32
      %cond3A_133 = arith.constant 0 : i32
      %cond3A_134 = arith.cmpi ne, %convert_element_type3A_132, %cond3A_133 : i32
      scf.if %cond3A_134 {
        %ge3A = arith.constant 3 : i32
        %ge3A_135 = arith.cmpi sge, %add3A_129, %ge3A : i32
        %convert_element_type3A_136 = arith.extui %ge3A_135 : i1 to i32
        %cond3A_137 = arith.constant 0 : i32
        %cond3A_138 = arith.cmpi ne, %convert_element_type3A_136, %cond3A_137 : i32
        scf.if %cond3A_138 {
          %dma_wait3A_147 = arith.constant 1 : i32
          %dma_wait3A_148 = arith.constant 0 : i32
          %dma_wait3A_149 = tpu.memref_slice %arg7[%dma_wait3A_147, %dma_wait3A_148] : memref<2x128xi32, #tpu.memory_space<vmem>> -> memref<1x128xi32, #tpu.memory_space<vmem>>
          %dma_wait3A_150 = tpu.memref_squeeze %dma_wait3A_149 : memref<1x128xi32, #tpu.memory_space<vmem>> -> memref<128xi32, #tpu.memory_space<vmem>>
          %dma_wait3A_151 = arith.constant 0 : i32
          %dma_wait3A_152 = arith.constant 0 : i32
          %dma_wait3A_153 = tpu.memref_slice %arg18[%dma_wait3A_151, %dma_wait3A_152] : memref<10064x128xf32, #tpu.memory_space<vmem_shared>> -> memref<10064x128xf32, #tpu.memory_space<vmem_shared>>
          tpu.wait_indirect_dma semaphore(%arg16 : memref<!tpu.dma_semaphore, #tpu.memory_space<semaphore_mem>>) src(%arg10 : memref<128x128xf32, #tpu.memory_space<vmem>>) dst(%dma_wait3A_153 : memref<10064x128xf32, #tpu.memory_space<vmem_shared>>)
        } else {
        }
        %add3A_139 = arith.addi %mul3A_8, %add3A_129 : i32
        "tpu.region"() ({
          %run_scoped3A = tpu.sem_alloc : memref<!tpu.dma_semaphore, #tpu.memory_space<semaphore_mem>>
          %dma_start3A_147 = arith.constant 0 : i32
          %dma_start3A_148 = arith.constant 0 : i32
          %dma_start3A_149 = tpu.memref_slice %arg3[%add3A_139, %dma_start3A_147, %dma_start3A_148] : memref<2592x2x128xi32, #tpu.memory_space<hbm>> -> memref<1x2x128xi32, #tpu.memory_space<hbm>>
          %dma_start3A_150 = tpu.memref_squeeze %dma_start3A_149 : memref<1x2x128xi32, #tpu.memory_space<hbm>> -> memref<2x128xi32, #tpu.memory_space<hbm>>
          %dma_start3A_151 = arith.constant 0 : i32
          %dma_start3A_152 = arith.constant 0 : i32
          %dma_start3A_153 = tpu.memref_slice %arg3[%add3A_139, %dma_start3A_151, %dma_start3A_152] : memref<2592x2x128xi32, #tpu.memory_space<hbm>> -> memref<1x2x128xi32, #tpu.memory_space<hbm>>
          %dma_start3A_154 = tpu.memref_squeeze %dma_start3A_153 : memref<1x2x128xi32, #tpu.memory_space<hbm>> -> memref<2x128xi32, #tpu.memory_space<hbm>>
          tpu.enqueue_dma source(%dma_start3A_154 : memref<2x128xi32, #tpu.memory_space<hbm>>) target(%arg7 : memref<2x128xi32, #tpu.memory_space<vmem>>) target_semaphore(%run_scoped3A : memref<!tpu.dma_semaphore, #tpu.memory_space<semaphore_mem>>)
          %dma_wait3A_155 = arith.constant 0 : i32
          %dma_wait3A_156 = arith.constant 0 : i32
          %dma_wait3A_157 = tpu.memref_slice %arg3[%add3A_139, %dma_wait3A_155, %dma_wait3A_156] : memref<2592x2x128xi32, #tpu.memory_space<hbm>> -> memref<1x2x128xi32, #tpu.memory_space<hbm>>
          %dma_wait3A_158 = tpu.memref_squeeze %dma_wait3A_157 : memref<1x2x128xi32, #tpu.memory_space<hbm>> -> memref<2x128xi32, #tpu.memory_space<hbm>>
          %dma_wait3A_159 = arith.constant 0 : i32
          %dma_wait3A_160 = arith.constant 0 : i32
          %dma_wait3A_161 = tpu.memref_slice %arg3[%add3A_139, %dma_wait3A_159, %dma_wait3A_160] : memref<2592x2x128xi32, #tpu.memory_space<hbm>> -> memref<1x2x128xi32, #tpu.memory_space<hbm>>
          %dma_wait3A_162 = tpu.memref_squeeze %dma_wait3A_161 : memref<1x2x128xi32, #tpu.memory_space<hbm>> -> memref<2x128xi32, #tpu.memory_space<hbm>>
          tpu.wait_dma2 semaphore(%run_scoped3A : memref<!tpu.dma_semaphore, #tpu.memory_space<semaphore_mem>>) src(%dma_wait3A_162 : memref<2x128xi32, #tpu.memory_space<hbm>>) dst(%arg7 : memref<2x128xi32, #tpu.memory_space<vmem>>)
          tpu.yield
        }) : () -> ()
        %dma_start3A_140 = arith.constant 0 : i32
        %dma_start3A_141 = arith.constant 0 : i32
        %dma_start3A_142 = tpu.memref_slice %arg7[%dma_start3A_140, %dma_start3A_141] : memref<2x128xi32, #tpu.memory_space<vmem>> -> memref<1x128xi32, #tpu.memory_space<vmem>>
        %dma_start3A_143 = tpu.memref_squeeze %dma_start3A_142 : memref<1x128xi32, #tpu.memory_space<vmem>> -> memref<128xi32, #tpu.memory_space<vmem>>
        %dma_start3A_144 = arith.constant 0 : i32
        %dma_start3A_145 = arith.constant 0 : i32
        %dma_start3A_146 = tpu.memref_slice %arg2[%dma_start3A_144, %dma_start3A_145] : memref<90000x128xf32, #tpu.memory_space<hbm>> -> memref<90000x128xf32, #tpu.memory_space<hbm>>
        tpu.enqueue_indirect_dma source(%dma_start3A_146 : memref<90000x128xf32, #tpu.memory_space<hbm>>) target(%arg10 : memref<128x128xf32, #tpu.memory_space<vmem>>) offsets(%dma_start3A_143 : memref<128xi32, #tpu.memory_space<vmem>>) semaphore(%arg13 : memref<!tpu.dma_semaphore, #tpu.memory_space<semaphore_mem>>)
      } else {
      }
    }
    %scan3A_29 = arith.constant 27 : i32
    %dma_wait3A = arith.constant 1 : i32
    %dma_wait3A_30 = arith.constant 0 : i32
    %dma_wait3A_31 = tpu.memref_slice %arg6[%dma_wait3A, %dma_wait3A_30] : memref<2x128xi32, #tpu.memory_space<vmem>> -> memref<1x128xi32, #tpu.memory_space<vmem>>
    %dma_wait3A_32 = tpu.memref_squeeze %dma_wait3A_31 : memref<1x128xi32, #tpu.memory_space<vmem>> -> memref<128xi32, #tpu.memory_space<vmem>>
    %dma_wait3A_33 = arith.constant 0 : i32
    %dma_wait3A_34 = arith.constant 0 : i32
    %dma_wait3A_35 = tpu.memref_slice %arg18[%dma_wait3A_33, %dma_wait3A_34] : memref<10064x128xf32, #tpu.memory_space<vmem_shared>> -> memref<10064x128xf32, #tpu.memory_space<vmem_shared>>
    tpu.wait_indirect_dma semaphore(%arg15 : memref<!tpu.dma_semaphore, #tpu.memory_space<semaphore_mem>>) src(%arg9 : memref<128x128xf32, #tpu.memory_space<vmem>>) dst(%dma_wait3A_35 : memref<10064x128xf32, #tpu.memory_space<vmem_shared>>)
    %dma_wait3A_36 = arith.constant 1 : i32
    %dma_wait3A_37 = arith.constant 0 : i32
    %dma_wait3A_38 = tpu.memref_slice %arg7[%dma_wait3A_36, %dma_wait3A_37] : memref<2x128xi32, #tpu.memory_space<vmem>> -> memref<1x128xi32, #tpu.memory_space<vmem>>
    %dma_wait3A_39 = tpu.memref_squeeze %dma_wait3A_38 : memref<1x128xi32, #tpu.memory_space<vmem>> -> memref<128xi32, #tpu.memory_space<vmem>>
    %dma_wait3A_40 = arith.constant 0 : i32
    %dma_wait3A_41 = arith.constant 0 : i32
    %dma_wait3A_42 = tpu.memref_slice %arg18[%dma_wait3A_40, %dma_wait3A_41] : memref<10064x128xf32, #tpu.memory_space<vmem_shared>> -> memref<10064x128xf32, #tpu.memory_space<vmem_shared>>
    tpu.wait_indirect_dma semaphore(%arg16 : memref<!tpu.dma_semaphore, #tpu.memory_space<semaphore_mem>>) src(%arg10 : memref<128x128xf32, #tpu.memory_space<vmem>>) dst(%dma_wait3A_42 : memref<10064x128xf32, #tpu.memory_space<vmem_shared>>)
    %dma_wait3A_43 = arith.constant 1 : i32
    %dma_wait3A_44 = arith.constant 0 : i32
    %dma_wait3A_45 = tpu.memref_slice %arg8[%dma_wait3A_43, %dma_wait3A_44] : memref<2x128xi32, #tpu.memory_space<vmem>> -> memref<1x128xi32, #tpu.memory_space<vmem>>
    %dma_wait3A_46 = tpu.memref_squeeze %dma_wait3A_45 : memref<1x128xi32, #tpu.memory_space<vmem>> -> memref<128xi32, #tpu.memory_space<vmem>>
    %dma_wait3A_47 = arith.constant 0 : i32
    %dma_wait3A_48 = arith.constant 0 : i32
    %dma_wait3A_49 = tpu.memref_slice %arg18[%dma_wait3A_47, %dma_wait3A_48] : memref<10064x128xf32, #tpu.memory_space<vmem_shared>> -> memref<10064x128xf32, #tpu.memory_space<vmem_shared>>
    tpu.wait_indirect_dma semaphore(%arg17 : memref<!tpu.dma_semaphore, #tpu.memory_space<semaphore_mem>>) src(%arg11 : memref<128x128xf32, #tpu.memory_space<vmem>>) dst(%dma_wait3A_49 : memref<10064x128xf32, #tpu.memory_space<vmem_shared>>)
    %barrier3A_50 = arith.constant 0 : index
    tpu.barrier barrier_id(%barrier3A_50)
    %lt3A_51 = arith.constant 15 : i32
    %lt3A_52 = arith.cmpi slt, %arg1, %lt3A_51 : i32
    %convert_element_type3A_53 = arith.extui %lt3A_52 : i1 to i32
    %cond3A_54 = arith.constant 0 : i32
    %cond3A_55 = arith.cmpi ne, %convert_element_type3A_53, %cond3A_54 : i32
    scf.if %cond3A_55 {
      %mul3A_61 = arith.constant 632 : i32
      %mul3A_62 = arith.muli %arg1, %mul3A_61 : i32
      %mul3A_63 = arith.constant 632 : i32
      %mul3A_64 = arith.muli %arg1, %mul3A_63 : i32
      "tpu.region"() ({
        %run_scoped3A = tpu.sem_alloc : memref<!tpu.dma_semaphore, #tpu.memory_space<semaphore_mem>>
        %dma_start3A_65 = arith.constant 0 : i32
        %dma_start3A_66 = tpu.memref_slice %arg5[%arg0, %mul3A_64, %dma_start3A_65] : memref<2x10000x128xf32, #tpu.memory_space<hbm>> -> memref<1x632x128xf32, #tpu.memory_space<hbm>>
        %dma_start3A_67 = tpu.memref_squeeze %dma_start3A_66 : memref<1x632x128xf32, #tpu.memory_space<hbm>> -> memref<632x128xf32, #tpu.memory_space<hbm>>
        %dma_start3A_68 = arith.constant 0 : i32
        %dma_start3A_69 = tpu.memref_slice %arg18[%mul3A_62, %dma_start3A_68] : memref<10064x128xf32, #tpu.memory_space<vmem_shared>> -> memref<632x128xf32, #tpu.memory_space<vmem_shared>>
        tpu.enqueue_dma source(%dma_start3A_69 : memref<632x128xf32, #tpu.memory_space<vmem_shared>>) target(%dma_start3A_67 : memref<632x128xf32, #tpu.memory_space<hbm>>) target_semaphore(%run_scoped3A : memref<!tpu.dma_semaphore, #tpu.memory_space<semaphore_mem>>)
        %dma_wait3A_70 = arith.constant 0 : i32
        %dma_wait3A_71 = tpu.memref_slice %arg5[%arg0, %mul3A_64, %dma_wait3A_70] : memref<2x10000x128xf32, #tpu.memory_space<hbm>> -> memref<1x632x128xf32, #tpu.memory_space<hbm>>
        %dma_wait3A_72 = tpu.memref_squeeze %dma_wait3A_71 : memref<1x632x128xf32, #tpu.memory_space<hbm>> -> memref<632x128xf32, #tpu.memory_space<hbm>>
        %dma_wait3A_73 = arith.constant 0 : i32
        %dma_wait3A_74 = tpu.memref_slice %arg18[%mul3A_62, %dma_wait3A_73] : memref<10064x128xf32, #tpu.memory_space<vmem_shared>> -> memref<632x128xf32, #tpu.memory_space<vmem_shared>>
        tpu.wait_dma2 semaphore(%run_scoped3A : memref<!tpu.dma_semaphore, #tpu.memory_space<semaphore_mem>>) src(%dma_wait3A_74 : memref<632x128xf32, #tpu.memory_space<vmem_shared>>) dst(%dma_wait3A_72 : memref<632x128xf32, #tpu.memory_space<hbm>>)
        tpu.yield
      }) : () -> ()
    } else {
    }
    %eq3A_56 = arith.constant 15 : i32
    %eq3A_57 = arith.cmpi eq, %arg1, %eq3A_56 : i32
    %convert_element_type3A_58 = arith.extui %eq3A_57 : i1 to i32
    %cond3A_59 = arith.constant 0 : i32
    %cond3A_60 = arith.cmpi ne, %convert_element_type3A_58, %cond3A_59 : i32
    scf.if %cond3A_60 {
      "tpu.region"() ({
        %run_scoped3A = tpu.sem_alloc : memref<!tpu.dma_semaphore, #tpu.memory_space<semaphore_mem>>
        %dma_start3A_61 = arith.constant 9480 : i32
        %dma_start3A_62 = arith.constant 0 : i32
        %dma_start3A_63 = tpu.memref_slice %arg5[%arg0, %dma_start3A_61, %dma_start3A_62] : memref<2x10000x128xf32, #tpu.memory_space<hbm>> -> memref<1x520x128xf32, #tpu.memory_space<hbm>>
        %dma_start3A_64 = tpu.memref_squeeze %dma_start3A_63 : memref<1x520x128xf32, #tpu.memory_space<hbm>> -> memref<520x128xf32, #tpu.memory_space<hbm>>
        %dma_start3A_65 = arith.constant 9480 : i32
        %dma_start3A_66 = arith.constant 0 : i32
        %dma_start3A_67 = tpu.memref_slice %arg18[%dma_start3A_65, %dma_start3A_66] : memref<10064x128xf32, #tpu.memory_space<vmem_shared>> -> memref<520x128xf32, #tpu.memory_space<vmem_shared>>
        tpu.enqueue_dma source(%dma_start3A_67 : memref<520x128xf32, #tpu.memory_space<vmem_shared>>) target(%dma_start3A_64 : memref<520x128xf32, #tpu.memory_space<hbm>>) target_semaphore(%run_scoped3A : memref<!tpu.dma_semaphore, #tpu.memory_space<semaphore_mem>>)
        %dma_wait3A_68 = arith.constant 9480 : i32
        %dma_wait3A_69 = arith.constant 0 : i32
        %dma_wait3A_70 = tpu.memref_slice %arg5[%arg0, %dma_wait3A_68, %dma_wait3A_69] : memref<2x10000x128xf32, #tpu.memory_space<hbm>> -> memref<1x520x128xf32, #tpu.memory_space<hbm>>
        %dma_wait3A_71 = tpu.memref_squeeze %dma_wait3A_70 : memref<1x520x128xf32, #tpu.memory_space<hbm>> -> memref<520x128xf32, #tpu.memory_space<hbm>>
        %dma_wait3A_72 = arith.constant 9480 : i32
        %dma_wait3A_73 = arith.constant 0 : i32
        %dma_wait3A_74 = tpu.memref_slice %arg18[%dma_wait3A_72, %dma_wait3A_73] : memref<10064x128xf32, #tpu.memory_space<vmem_shared>> -> memref<520x128xf32, #tpu.memory_space<vmem_shared>>
        tpu.wait_dma2 semaphore(%run_scoped3A : memref<!tpu.dma_semaphore, #tpu.memory_space<semaphore_mem>>) src(%dma_wait3A_74 : memref<520x128xf32, #tpu.memory_space<vmem_shared>>) dst(%dma_wait3A_71 : memref<520x128xf32, #tpu.memory_space<hbm>>)
        tpu.yield
      }) : () -> ()
    } else {
    }
    return
  }
}

#map = affine_map<(d0, d1) -> (0, 0)>
#map1 = affine_map<(d0, d1) -> (0, 0, 0)>
module attributes {stable_mosaic.version = 14 : i64} {
  func.func @sc_accum(%arg0: i32, %arg1: i32, %arg2: memref<180000x128xf32, #tpu.memory_space<hbm>>, %arg3: memref<5184x2x128xi32, #tpu.memory_space<hbm>>, %arg4: memref<632x128xf32, #tpu.memory_space<hbm>>, %arg5: memref<2x10000x128xf32, #tpu.memory_space<hbm>>, %arg6: memref<2x128xi32, #tpu.memory_space<vmem>>, %arg7: memref<2x128xi32, #tpu.memory_space<vmem>>, %arg8: memref<2x128xi32, #tpu.memory_space<vmem>>, %arg9: memref<128x128xf32, #tpu.memory_space<vmem>>, %arg10: memref<128x128xf32, #tpu.memory_space<vmem>>, %arg11: memref<128x128xf32, #tpu.memory_space<vmem>>, %arg12: memref<!tpu.dma_semaphore, #tpu.memory_space<semaphore_mem>>, %arg13: memref<!tpu.dma_semaphore, #tpu.memory_space<semaphore_mem>>, %arg14: memref<!tpu.dma_semaphore, #tpu.memory_space<semaphore_mem>>, %arg15: memref<!tpu.dma_semaphore, #tpu.memory_space<semaphore_mem>>, %arg16: memref<!tpu.dma_semaphore, #tpu.memory_space<semaphore_mem>>, %arg17: memref<!tpu.dma_semaphore, #tpu.memory_space<semaphore_mem>>, %arg18: memref<10064x128xf32, #tpu.memory_space<vmem_shared>>) attributes {dimension_semantics = [#tpu.dimension_semantics<core_parallel>, #tpu.dimension_semantics<subcore_parallel>], iteration_bounds = array<i64: 2, 16>, scalar_prefetch = 0 : i64, scratch_operands = 13 : i64, tpu.core_type = #tpu.core_type<sc_vector_subcore>, window_params = [{transform_indices = #map}, {transform_indices = #map1}, {transform_indices = #map}, {transform_indices = #map1}]} {
    %lt3A = arith.constant 15 : i32
    %lt3A_0 = arith.cmpi slt, %arg1, %lt3A : i32
    %convert_element_type3A = arith.extui %lt3A_0 : i1 to i32
    %cond3A = arith.constant 0 : i32
    %cond3A_1 = arith.cmpi ne, %convert_element_type3A, %cond3A : i32
    scf.if %cond3A_1 {
      %mul3A_61 = arith.constant 632 : i32
      %mul3A_62 = arith.muli %arg1, %mul3A_61 : i32
      "tpu.region"() ({
        %run_scoped3A = tpu.sem_alloc : memref<!tpu.dma_semaphore, #tpu.memory_space<semaphore_mem>>
        %dma_start3A_63 = arith.constant 0 : i32
        %dma_start3A_64 = tpu.memref_slice %arg18[%mul3A_62, %dma_start3A_63] : memref<10064x128xf32, #tpu.memory_space<vmem_shared>> -> memref<632x128xf32, #tpu.memory_space<vmem_shared>>
        tpu.enqueue_dma source(%arg4 : memref<632x128xf32, #tpu.memory_space<hbm>>) target(%dma_start3A_64 : memref<632x128xf32, #tpu.memory_space<vmem_shared>>) target_semaphore(%run_scoped3A : memref<!tpu.dma_semaphore, #tpu.memory_space<semaphore_mem>>)
        %dma_wait3A_65 = arith.constant 0 : i32
        %dma_wait3A_66 = tpu.memref_slice %arg18[%mul3A_62, %dma_wait3A_65] : memref<10064x128xf32, #tpu.memory_space<vmem_shared>> -> memref<632x128xf32, #tpu.memory_space<vmem_shared>>
        tpu.wait_dma2 semaphore(%run_scoped3A : memref<!tpu.dma_semaphore, #tpu.memory_space<semaphore_mem>>) src(%arg4 : memref<632x128xf32, #tpu.memory_space<hbm>>) dst(%dma_wait3A_66 : memref<632x128xf32, #tpu.memory_space<vmem_shared>>)
        tpu.yield
      }) : () -> ()
    } else {
    }
    %eq3A = arith.constant 15 : i32
    %eq3A_2 = arith.cmpi eq, %arg1, %eq3A : i32
    %convert_element_type3A_3 = arith.extui %eq3A_2 : i1 to i32
    %cond3A_4 = arith.constant 0 : i32
    %cond3A_5 = arith.cmpi ne, %convert_element_type3A_3, %cond3A_4 : i32
    scf.if %cond3A_5 {
      "tpu.region"() ({
        %run_scoped3A = tpu.sem_alloc : memref<!tpu.dma_semaphore, #tpu.memory_space<semaphore_mem>>
        %dma_start3A_61 = arith.constant 9480 : i32
        %dma_start3A_62 = arith.constant 0 : i32
        %dma_start3A_63 = tpu.memref_slice %arg18[%dma_start3A_61, %dma_start3A_62] : memref<10064x128xf32, #tpu.memory_space<vmem_shared>> -> memref<584x128xf32, #tpu.memory_space<vmem_shared>>
        %dma_start3A_64 = arith.constant 0 : i32
        %dma_start3A_65 = arith.constant 0 : i32
        %dma_start3A_66 = tpu.memref_slice %arg4[%dma_start3A_64, %dma_start3A_65] : memref<632x128xf32, #tpu.memory_space<hbm>> -> memref<584x128xf32, #tpu.memory_space<hbm>>
        tpu.enqueue_dma source(%dma_start3A_66 : memref<584x128xf32, #tpu.memory_space<hbm>>) target(%dma_start3A_63 : memref<584x128xf32, #tpu.memory_space<vmem_shared>>) target_semaphore(%run_scoped3A : memref<!tpu.dma_semaphore, #tpu.memory_space<semaphore_mem>>)
        %dma_wait3A_67 = arith.constant 9480 : i32
        %dma_wait3A_68 = arith.constant 0 : i32
        %dma_wait3A_69 = tpu.memref_slice %arg18[%dma_wait3A_67, %dma_wait3A_68] : memref<10064x128xf32, #tpu.memory_space<vmem_shared>> -> memref<584x128xf32, #tpu.memory_space<vmem_shared>>
        %dma_wait3A_70 = arith.constant 0 : i32
        %dma_wait3A_71 = arith.constant 0 : i32
        %dma_wait3A_72 = tpu.memref_slice %arg4[%dma_wait3A_70, %dma_wait3A_71] : memref<632x128xf32, #tpu.memory_space<hbm>> -> memref<584x128xf32, #tpu.memory_space<hbm>>
        tpu.wait_dma2 semaphore(%run_scoped3A : memref<!tpu.dma_semaphore, #tpu.memory_space<semaphore_mem>>) src(%dma_wait3A_72 : memref<584x128xf32, #tpu.memory_space<hbm>>) dst(%dma_wait3A_69 : memref<584x128xf32, #tpu.memory_space<vmem_shared>>)
        tpu.yield
      }) : () -> ()
    } else {
    }
    %barrier3A = arith.constant 0 : index
    tpu.barrier barrier_id(%barrier3A)
    %mul3A = arith.constant 16 : i32
    %mul3A_6 = arith.muli %arg0, %mul3A : i32
    %add3A = arith.addi %mul3A_6, %arg1 : i32
    %mul3A_7 = arith.constant 162 : i32
    %mul3A_8 = arith.muli %add3A, %mul3A_7 : i32
    %add3A_9 = arith.constant 0 : i32
    %add3A_10 = arith.addi %mul3A_8, %add3A_9 : i32
    "tpu.region"() ({
      %run_scoped3A = tpu.sem_alloc : memref<!tpu.dma_semaphore, #tpu.memory_space<semaphore_mem>>
      %dma_start3A_61 = arith.constant 0 : i32
      %dma_start3A_62 = arith.constant 0 : i32
      %dma_start3A_63 = tpu.memref_slice %arg3[%add3A_10, %dma_start3A_61, %dma_start3A_62] : memref<5184x2x128xi32, #tpu.memory_space<hbm>> -> memref<1x2x128xi32, #tpu.memory_space<hbm>>
      %dma_start3A_64 = tpu.memref_squeeze %dma_start3A_63 : memref<1x2x128xi32, #tpu.memory_space<hbm>> -> memref<2x128xi32, #tpu.memory_space<hbm>>
      %dma_start3A_65 = arith.constant 0 : i32
      %dma_start3A_66 = arith.constant 0 : i32
      %dma_start3A_67 = tpu.memref_slice %arg3[%add3A_10, %dma_start3A_65, %dma_start3A_66] : memref<5184x2x128xi32, #tpu.memory_space<hbm>> -> memref<1x2x128xi32, #tpu.memory_space<hbm>>
      %dma_start3A_68 = tpu.memref_squeeze %dma_start3A_67 : memref<1x2x128xi32, #tpu.memory_space<hbm>> -> memref<2x128xi32, #tpu.memory_space<hbm>>
      tpu.enqueue_dma source(%dma_start3A_68 : memref<2x128xi32, #tpu.memory_space<hbm>>) target(%arg6 : memref<2x128xi32, #tpu.memory_space<vmem>>) target_semaphore(%run_scoped3A : memref<!tpu.dma_semaphore, #tpu.memory_space<semaphore_mem>>)
      %dma_wait3A_69 = arith.constant 0 : i32
      %dma_wait3A_70 = arith.constant 0 : i32
      %dma_wait3A_71 = tpu.memref_slice %arg3[%add3A_10, %dma_wait3A_69, %dma_wait3A_70] : memref<5184x2x128xi32, #tpu.memory_space<hbm>> -> memref<1x2x128xi32, #tpu.memory_space<hbm>>
      %dma_wait3A_72 = tpu.memref_squeeze %dma_wait3A_71 : memref<1x2x128xi32, #tpu.memory_space<hbm>> -> memref<2x128xi32, #tpu.memory_space<hbm>>
      %dma_wait3A_73 = arith.constant 0 : i32
      %dma_wait3A_74 = arith.constant 0 : i32
      %dma_wait3A_75 = tpu.memref_slice %arg3[%add3A_10, %dma_wait3A_73, %dma_wait3A_74] : memref<5184x2x128xi32, #tpu.memory_space<hbm>> -> memref<1x2x128xi32, #tpu.memory_space<hbm>>
      %dma_wait3A_76 = tpu.memref_squeeze %dma_wait3A_75 : memref<1x2x128xi32, #tpu.memory_space<hbm>> -> memref<2x128xi32, #tpu.memory_space<hbm>>
      tpu.wait_dma2 semaphore(%run_scoped3A : memref<!tpu.dma_semaphore, #tpu.memory_space<semaphore_mem>>) src(%dma_wait3A_76 : memref<2x128xi32, #tpu.memory_space<hbm>>) dst(%arg6 : memref<2x128xi32, #tpu.memory_space<vmem>>)
      tpu.yield
    }) : () -> ()
    %dma_start3A = arith.constant 0 : i32
    %dma_start3A_11 = arith.constant 0 : i32
    %dma_start3A_12 = tpu.memref_slice %arg6[%dma_start3A, %dma_start3A_11] : memref<2x128xi32, #tpu.memory_space<vmem>> -> memref<1x128xi32, #tpu.memory_space<vmem>>
    %dma_start3A_13 = tpu.memref_squeeze %dma_start3A_12 : memref<1x128xi32, #tpu.memory_space<vmem>> -> memref<128xi32, #tpu.memory_space<vmem>>
    %dma_start3A_14 = arith.constant 0 : i32
    %dma_start3A_15 = arith.constant 0 : i32
    %dma_start3A_16 = tpu.memref_slice %arg2[%dma_start3A_14, %dma_start3A_15] : memref<180000x128xf32, #tpu.memory_space<hbm>> -> memref<180000x128xf32, #tpu.memory_space<hbm>>
    tpu.enqueue_indirect_dma source(%dma_start3A_16 : memref<180000x128xf32, #tpu.memory_space<hbm>>) target(%arg9 : memref<128x128xf32, #tpu.memory_space<vmem>>) offsets(%dma_start3A_13 : memref<128xi32, #tpu.memory_space<vmem>>) semaphore(%arg12 : memref<!tpu.dma_semaphore, #tpu.memory_space<semaphore_mem>>)
    %add3A_17 = arith.constant 1 : i32
    %add3A_18 = arith.addi %mul3A_8, %add3A_17 : i32
    "tpu.region"() ({
      %run_scoped3A = tpu.sem_alloc : memref<!tpu.dma_semaphore, #tpu.memory_space<semaphore_mem>>
      %dma_start3A_61 = arith.constant 0 : i32
      %dma_start3A_62 = arith.constant 0 : i32
      %dma_start3A_63 = tpu.memref_slice %arg3[%add3A_18, %dma_start3A_61, %dma_start3A_62] : memref<5184x2x128xi32, #tpu.memory_space<hbm>> -> memref<1x2x128xi32, #tpu.memory_space<hbm>>
      %dma_start3A_64 = tpu.memref_squeeze %dma_start3A_63 : memref<1x2x128xi32, #tpu.memory_space<hbm>> -> memref<2x128xi32, #tpu.memory_space<hbm>>
      %dma_start3A_65 = arith.constant 0 : i32
      %dma_start3A_66 = arith.constant 0 : i32
      %dma_start3A_67 = tpu.memref_slice %arg3[%add3A_18, %dma_start3A_65, %dma_start3A_66] : memref<5184x2x128xi32, #tpu.memory_space<hbm>> -> memref<1x2x128xi32, #tpu.memory_space<hbm>>
      %dma_start3A_68 = tpu.memref_squeeze %dma_start3A_67 : memref<1x2x128xi32, #tpu.memory_space<hbm>> -> memref<2x128xi32, #tpu.memory_space<hbm>>
      tpu.enqueue_dma source(%dma_start3A_68 : memref<2x128xi32, #tpu.memory_space<hbm>>) target(%arg7 : memref<2x128xi32, #tpu.memory_space<vmem>>) target_semaphore(%run_scoped3A : memref<!tpu.dma_semaphore, #tpu.memory_space<semaphore_mem>>)
      %dma_wait3A_69 = arith.constant 0 : i32
      %dma_wait3A_70 = arith.constant 0 : i32
      %dma_wait3A_71 = tpu.memref_slice %arg3[%add3A_18, %dma_wait3A_69, %dma_wait3A_70] : memref<5184x2x128xi32, #tpu.memory_space<hbm>> -> memref<1x2x128xi32, #tpu.memory_space<hbm>>
      %dma_wait3A_72 = tpu.memref_squeeze %dma_wait3A_71 : memref<1x2x128xi32, #tpu.memory_space<hbm>> -> memref<2x128xi32, #tpu.memory_space<hbm>>
      %dma_wait3A_73 = arith.constant 0 : i32
      %dma_wait3A_74 = arith.constant 0 : i32
      %dma_wait3A_75 = tpu.memref_slice %arg3[%add3A_18, %dma_wait3A_73, %dma_wait3A_74] : memref<5184x2x128xi32, #tpu.memory_space<hbm>> -> memref<1x2x128xi32, #tpu.memory_space<hbm>>
      %dma_wait3A_76 = tpu.memref_squeeze %dma_wait3A_75 : memref<1x2x128xi32, #tpu.memory_space<hbm>> -> memref<2x128xi32, #tpu.memory_space<hbm>>
      tpu.wait_dma2 semaphore(%run_scoped3A : memref<!tpu.dma_semaphore, #tpu.memory_space<semaphore_mem>>) src(%dma_wait3A_76 : memref<2x128xi32, #tpu.memory_space<hbm>>) dst(%arg7 : memref<2x128xi32, #tpu.memory_space<vmem>>)
      tpu.yield
    }) : () -> ()
    %dma_start3A_19 = arith.constant 0 : i32
    %dma_start3A_20 = arith.constant 0 : i32
    %dma_start3A_21 = tpu.memref_slice %arg7[%dma_start3A_19, %dma_start3A_20] : memref<2x128xi32, #tpu.memory_space<vmem>> -> memref<1x128xi32, #tpu.memory_space<vmem>>
    %dma_start3A_22 = tpu.memref_squeeze %dma_start3A_21 : memref<1x128xi32, #tpu.memory_space<vmem>> -> memref<128xi32, #tpu.memory_space<vmem>>
    %dma_start3A_23 = arith.constant 0 : i32
    %dma_start3A_24 = arith.constant 0 : i32
    %dma_start3A_25 = tpu.memref_slice %arg2[%dma_start3A_23, %dma_start3A_24] : memref<180000x128xf32, #tpu.memory_space<hbm>> -> memref<180000x128xf32, #tpu.memory_space<hbm>>
    tpu.enqueue_indirect_dma source(%dma_start3A_25 : memref<180000x128xf32, #tpu.memory_space<hbm>>) target(%arg10 : memref<128x128xf32, #tpu.memory_space<vmem>>) offsets(%dma_start3A_22 : memref<128xi32, #tpu.memory_space<vmem>>) semaphore(%arg13 : memref<!tpu.dma_semaphore, #tpu.memory_space<semaphore_mem>>)
    %scan3A = arith.constant 0 : i32
    %scan3A_26 = arith.constant 54 : i32
    %scan3A_27 = arith.addi %scan3A, %scan3A_26 : i32
    %scan3A_28 = arith.constant 1 : i32
    scf.for %scan3A_61 = %scan3A to %scan3A_27 step %scan3A_28  : i32 {
      %mul3A_62 = arith.constant 3 : i32
      %mul3A_63 = arith.muli %scan3A_61, %mul3A_62 : i32
      %add3A_64 = arith.constant 0 : i32
      %add3A_65 = arith.addi %add3A_64, %mul3A_63 : i32
      %add3A_66 = arith.constant 0 : i32
      %add3A_67 = arith.addi %add3A_65, %add3A_66 : i32
      %dma_wait3A_68 = arith.constant 0 : i32
      %dma_wait3A_69 = arith.constant 0 : i32
      %dma_wait3A_70 = tpu.memref_slice %arg6[%dma_wait3A_68, %dma_wait3A_69] : memref<2x128xi32, #tpu.memory_space<vmem>> -> memref<1x128xi32, #tpu.memory_space<vmem>>
      %dma_wait3A_71 = tpu.memref_squeeze %dma_wait3A_70 : memref<1x128xi32, #tpu.memory_space<vmem>> -> memref<128xi32, #tpu.memory_space<vmem>>
      %dma_wait3A_72 = arith.constant 0 : i32
      %dma_wait3A_73 = arith.constant 0 : i32
      %dma_wait3A_74 = tpu.memref_slice %arg2[%dma_wait3A_72, %dma_wait3A_73] : memref<180000x128xf32, #tpu.memory_space<hbm>> -> memref<180000x128xf32, #tpu.memory_space<hbm>>
      tpu.wait_indirect_dma semaphore(%arg12 : memref<!tpu.dma_semaphore, #tpu.memory_space<semaphore_mem>>) src(%dma_wait3A_74 : memref<180000x128xf32, #tpu.memory_space<hbm>>) dst(%arg9 : memref<128x128xf32, #tpu.memory_space<vmem>>)
      %dma_start3A_75 = arith.constant 1 : i32
      %dma_start3A_76 = arith.constant 0 : i32
      %dma_start3A_77 = tpu.memref_slice %arg6[%dma_start3A_75, %dma_start3A_76] : memref<2x128xi32, #tpu.memory_space<vmem>> -> memref<1x128xi32, #tpu.memory_space<vmem>>
      %dma_start3A_78 = tpu.memref_squeeze %dma_start3A_77 : memref<1x128xi32, #tpu.memory_space<vmem>> -> memref<128xi32, #tpu.memory_space<vmem>>
      %dma_start3A_79 = arith.constant 0 : i32
      %dma_start3A_80 = arith.constant 0 : i32
      %dma_start3A_81 = tpu.memref_slice %arg18[%dma_start3A_79, %dma_start3A_80] : memref<10064x128xf32, #tpu.memory_space<vmem_shared>> -> memref<10064x128xf32, #tpu.memory_space<vmem_shared>>
      tpu.enqueue_indirect_dma source(%arg9 : memref<128x128xf32, #tpu.memory_space<vmem>>) target(%dma_start3A_81 : memref<10064x128xf32, #tpu.memory_space<vmem_shared>>) offsets(%dma_start3A_78 : memref<128xi32, #tpu.memory_space<vmem>>) semaphore(%arg15 : memref<!tpu.dma_semaphore, #tpu.memory_space<semaphore_mem>>) {add = true}
      %add3A_82 = arith.constant 2 : i32
      %add3A_83 = arith.addi %add3A_67, %add3A_82 : i32
      %lt3A_84 = arith.constant 162 : i32
      %lt3A_85 = arith.cmpi slt, %add3A_83, %lt3A_84 : i32
      %convert_element_type3A_86 = arith.extui %lt3A_85 : i1 to i32
      %cond3A_87 = arith.constant 0 : i32
      %cond3A_88 = arith.cmpi ne, %convert_element_type3A_86, %cond3A_87 : i32
      scf.if %cond3A_88 {
        %ge3A = arith.constant 3 : i32
        %ge3A_135 = arith.cmpi sge, %add3A_83, %ge3A : i32
        %convert_element_type3A_136 = arith.extui %ge3A_135 : i1 to i32
        %cond3A_137 = arith.constant 0 : i32
        %cond3A_138 = arith.cmpi ne, %convert_element_type3A_136, %cond3A_137 : i32
        scf.if %cond3A_138 {
          %dma_wait3A_147 = arith.constant 1 : i32
          %dma_wait3A_148 = arith.constant 0 : i32
          %dma_wait3A_149 = tpu.memref_slice %arg8[%dma_wait3A_147, %dma_wait3A_148] : memref<2x128xi32, #tpu.memory_space<vmem>> -> memref<1x128xi32, #tpu.memory_space<vmem>>
          %dma_wait3A_150 = tpu.memref_squeeze %dma_wait3A_149 : memref<1x128xi32, #tpu.memory_space<vmem>> -> memref<128xi32, #tpu.memory_space<vmem>>
          %dma_wait3A_151 = arith.constant 0 : i32
          %dma_wait3A_152 = arith.constant 0 : i32
          %dma_wait3A_153 = tpu.memref_slice %arg18[%dma_wait3A_151, %dma_wait3A_152] : memref<10064x128xf32, #tpu.memory_space<vmem_shared>> -> memref<10064x128xf32, #tpu.memory_space<vmem_shared>>
          tpu.wait_indirect_dma semaphore(%arg17 : memref<!tpu.dma_semaphore, #tpu.memory_space<semaphore_mem>>) src(%arg11 : memref<128x128xf32, #tpu.memory_space<vmem>>) dst(%dma_wait3A_153 : memref<10064x128xf32, #tpu.memory_space<vmem_shared>>)
        } else {
        }
        %add3A_139 = arith.addi %mul3A_8, %add3A_83 : i32
        "tpu.region"() ({
          %run_scoped3A = tpu.sem_alloc : memref<!tpu.dma_semaphore, #tpu.memory_space<semaphore_mem>>
          %dma_start3A_147 = arith.constant 0 : i32
          %dma_start3A_148 = arith.constant 0 : i32
          %dma_start3A_149 = tpu.memref_slice %arg3[%add3A_139, %dma_start3A_147, %dma_start3A_148] : memref<5184x2x128xi32, #tpu.memory_space<hbm>> -> memref<1x2x128xi32, #tpu.memory_space<hbm>>
          %dma_start3A_150 = tpu.memref_squeeze %dma_start3A_149 : memref<1x2x128xi32, #tpu.memory_space<hbm>> -> memref<2x128xi32, #tpu.memory_space<hbm>>
          %dma_start3A_151 = arith.constant 0 : i32
          %dma_start3A_152 = arith.constant 0 : i32
          %dma_start3A_153 = tpu.memref_slice %arg3[%add3A_139, %dma_start3A_151, %dma_start3A_152] : memref<5184x2x128xi32, #tpu.memory_space<hbm>> -> memref<1x2x128xi32, #tpu.memory_space<hbm>>
          %dma_start3A_154 = tpu.memref_squeeze %dma_start3A_153 : memref<1x2x128xi32, #tpu.memory_space<hbm>> -> memref<2x128xi32, #tpu.memory_space<hbm>>
          tpu.enqueue_dma source(%dma_start3A_154 : memref<2x128xi32, #tpu.memory_space<hbm>>) target(%arg8 : memref<2x128xi32, #tpu.memory_space<vmem>>) target_semaphore(%run_scoped3A : memref<!tpu.dma_semaphore, #tpu.memory_space<semaphore_mem>>)
          %dma_wait3A_155 = arith.constant 0 : i32
          %dma_wait3A_156 = arith.constant 0 : i32
          %dma_wait3A_157 = tpu.memref_slice %arg3[%add3A_139, %dma_wait3A_155, %dma_wait3A_156] : memref<5184x2x128xi32, #tpu.memory_space<hbm>> -> memref<1x2x128xi32, #tpu.memory_space<hbm>>
          %dma_wait3A_158 = tpu.memref_squeeze %dma_wait3A_157 : memref<1x2x128xi32, #tpu.memory_space<hbm>> -> memref<2x128xi32, #tpu.memory_space<hbm>>
          %dma_wait3A_159 = arith.constant 0 : i32
          %dma_wait3A_160 = arith.constant 0 : i32
          %dma_wait3A_161 = tpu.memref_slice %arg3[%add3A_139, %dma_wait3A_159, %dma_wait3A_160] : memref<5184x2x128xi32, #tpu.memory_space<hbm>> -> memref<1x2x128xi32, #tpu.memory_space<hbm>>
          %dma_wait3A_162 = tpu.memref_squeeze %dma_wait3A_161 : memref<1x2x128xi32, #tpu.memory_space<hbm>> -> memref<2x128xi32, #tpu.memory_space<hbm>>
          tpu.wait_dma2 semaphore(%run_scoped3A : memref<!tpu.dma_semaphore, #tpu.memory_space<semaphore_mem>>) src(%dma_wait3A_162 : memref<2x128xi32, #tpu.memory_space<hbm>>) dst(%arg8 : memref<2x128xi32, #tpu.memory_space<vmem>>)
          tpu.yield
        }) : () -> ()
        %dma_start3A_140 = arith.constant 0 : i32
        %dma_start3A_141 = arith.constant 0 : i32
        %dma_start3A_142 = tpu.memref_slice %arg8[%dma_start3A_140, %dma_start3A_141] : memref<2x128xi32, #tpu.memory_space<vmem>> -> memref<1x128xi32, #tpu.memory_space<vmem>>
        %dma_start3A_143 = tpu.memref_squeeze %dma_start3A_142 : memref<1x128xi32, #tpu.memory_space<vmem>> -> memref<128xi32, #tpu.memory_space<vmem>>
        %dma_start3A_144 = arith.constant 0 : i32
        %dma_start3A_145 = arith.constant 0 : i32
        %dma_start3A_146 = tpu.memref_slice %arg2[%dma_start3A_144, %dma_start3A_145] : memref<180000x128xf32, #tpu.memory_space<hbm>> -> memref<180000x128xf32, #tpu.memory_space<hbm>>
        tpu.enqueue_indirect_dma source(%dma_start3A_146 : memref<180000x128xf32, #tpu.memory_space<hbm>>) target(%arg11 : memref<128x128xf32, #tpu.memory_space<vmem>>) offsets(%dma_start3A_143 : memref<128xi32, #tpu.memory_space<vmem>>) semaphore(%arg14 : memref<!tpu.dma_semaphore, #tpu.memory_space<semaphore_mem>>)
      } else {
      }
      %add3A_89 = arith.constant 1 : i32
      %add3A_90 = arith.addi %add3A_65, %add3A_89 : i32
      %dma_wait3A_91 = arith.constant 0 : i32
      %dma_wait3A_92 = arith.constant 0 : i32
      %dma_wait3A_93 = tpu.memref_slice %arg7[%dma_wait3A_91, %dma_wait3A_92] : memref<2x128xi32, #tpu.memory_space<vmem>> -> memref<1x128xi32, #tpu.memory_space<vmem>>
      %dma_wait3A_94 = tpu.memref_squeeze %dma_wait3A_93 : memref<1x128xi32, #tpu.memory_space<vmem>> -> memref<128xi32, #tpu.memory_space<vmem>>
      %dma_wait3A_95 = arith.constant 0 : i32
      %dma_wait3A_96 = arith.constant 0 : i32
      %dma_wait3A_97 = tpu.memref_slice %arg2[%dma_wait3A_95, %dma_wait3A_96] : memref<180000x128xf32, #tpu.memory_space<hbm>> -> memref<180000x128xf32, #tpu.memory_space<hbm>>
      tpu.wait_indirect_dma semaphore(%arg13 : memref<!tpu.dma_semaphore, #tpu.memory_space<semaphore_mem>>) src(%dma_wait3A_97 : memref<180000x128xf32, #tpu.memory_space<hbm>>) dst(%arg10 : memref<128x128xf32, #tpu.memory_space<vmem>>)
      %dma_start3A_98 = arith.constant 1 : i32
      %dma_start3A_99 = arith.constant 0 : i32
      %dma_start3A_100 = tpu.memref_slice %arg7[%dma_start3A_98, %dma_start3A_99] : memref<2x128xi32, #tpu.memory_space<vmem>> -> memref<1x128xi32, #tpu.memory_space<vmem>>
      %dma_start3A_101 = tpu.memref_squeeze %dma_start3A_100 : memref<1x128xi32, #tpu.memory_space<vmem>> -> memref<128xi32, #tpu.memory_space<vmem>>
      %dma_start3A_102 = arith.constant 0 : i32
      %dma_start3A_103 = arith.constant 0 : i32
      %dma_start3A_104 = tpu.memref_slice %arg18[%dma_start3A_102, %dma_start3A_103] : memref<10064x128xf32, #tpu.memory_space<vmem_shared>> -> memref<10064x128xf32, #tpu.memory_space<vmem_shared>>
      tpu.enqueue_indirect_dma source(%arg10 : memref<128x128xf32, #tpu.memory_space<vmem>>) target(%dma_start3A_104 : memref<10064x128xf32, #tpu.memory_space<vmem_shared>>) offsets(%dma_start3A_101 : memref<128xi32, #tpu.memory_space<vmem>>) semaphore(%arg16 : memref<!tpu.dma_semaphore, #tpu.memory_space<semaphore_mem>>) {add = true}
      %add3A_105 = arith.constant 2 : i32
      %add3A_106 = arith.addi %add3A_90, %add3A_105 : i32
      %lt3A_107 = arith.constant 162 : i32
      %lt3A_108 = arith.cmpi slt, %add3A_106, %lt3A_107 : i32
      %convert_element_type3A_109 = arith.extui %lt3A_108 : i1 to i32
      %cond3A_110 = arith.constant 0 : i32
      %cond3A_111 = arith.cmpi ne, %convert_element_type3A_109, %cond3A_110 : i32
      scf.if %cond3A_111 {
        %ge3A = arith.constant 3 : i32
        %ge3A_135 = arith.cmpi sge, %add3A_106, %ge3A : i32
        %convert_element_type3A_136 = arith.extui %ge3A_135 : i1 to i32
        %cond3A_137 = arith.constant 0 : i32
        %cond3A_138 = arith.cmpi ne, %convert_element_type3A_136, %cond3A_137 : i32
        scf.if %cond3A_138 {
          %dma_wait3A_147 = arith.constant 1 : i32
          %dma_wait3A_148 = arith.constant 0 : i32
          %dma_wait3A_149 = tpu.memref_slice %arg6[%dma_wait3A_147, %dma_wait3A_148] : memref<2x128xi32, #tpu.memory_space<vmem>> -> memref<1x128xi32, #tpu.memory_space<vmem>>
          %dma_wait3A_150 = tpu.memref_squeeze %dma_wait3A_149 : memref<1x128xi32, #tpu.memory_space<vmem>> -> memref<128xi32, #tpu.memory_space<vmem>>
          %dma_wait3A_151 = arith.constant 0 : i32
          %dma_wait3A_152 = arith.constant 0 : i32
          %dma_wait3A_153 = tpu.memref_slice %arg18[%dma_wait3A_151, %dma_wait3A_152] : memref<10064x128xf32, #tpu.memory_space<vmem_shared>> -> memref<10064x128xf32, #tpu.memory_space<vmem_shared>>
          tpu.wait_indirect_dma semaphore(%arg15 : memref<!tpu.dma_semaphore, #tpu.memory_space<semaphore_mem>>) src(%arg9 : memref<128x128xf32, #tpu.memory_space<vmem>>) dst(%dma_wait3A_153 : memref<10064x128xf32, #tpu.memory_space<vmem_shared>>)
        } else {
        }
        %add3A_139 = arith.addi %mul3A_8, %add3A_106 : i32
        "tpu.region"() ({
          %run_scoped3A = tpu.sem_alloc : memref<!tpu.dma_semaphore, #tpu.memory_space<semaphore_mem>>
          %dma_start3A_147 = arith.constant 0 : i32
          %dma_start3A_148 = arith.constant 0 : i32
          %dma_start3A_149 = tpu.memref_slice %arg3[%add3A_139, %dma_start3A_147, %dma_start3A_148] : memref<5184x2x128xi32, #tpu.memory_space<hbm>> -> memref<1x2x128xi32, #tpu.memory_space<hbm>>
          %dma_start3A_150 = tpu.memref_squeeze %dma_start3A_149 : memref<1x2x128xi32, #tpu.memory_space<hbm>> -> memref<2x128xi32, #tpu.memory_space<hbm>>
          %dma_start3A_151 = arith.constant 0 : i32
          %dma_start3A_152 = arith.constant 0 : i32
          %dma_start3A_153 = tpu.memref_slice %arg3[%add3A_139, %dma_start3A_151, %dma_start3A_152] : memref<5184x2x128xi32, #tpu.memory_space<hbm>> -> memref<1x2x128xi32, #tpu.memory_space<hbm>>
          %dma_start3A_154 = tpu.memref_squeeze %dma_start3A_153 : memref<1x2x128xi32, #tpu.memory_space<hbm>> -> memref<2x128xi32, #tpu.memory_space<hbm>>
          tpu.enqueue_dma source(%dma_start3A_154 : memref<2x128xi32, #tpu.memory_space<hbm>>) target(%arg6 : memref<2x128xi32, #tpu.memory_space<vmem>>) target_semaphore(%run_scoped3A : memref<!tpu.dma_semaphore, #tpu.memory_space<semaphore_mem>>)
          %dma_wait3A_155 = arith.constant 0 : i32
          %dma_wait3A_156 = arith.constant 0 : i32
          %dma_wait3A_157 = tpu.memref_slice %arg3[%add3A_139, %dma_wait3A_155, %dma_wait3A_156] : memref<5184x2x128xi32, #tpu.memory_space<hbm>> -> memref<1x2x128xi32, #tpu.memory_space<hbm>>
          %dma_wait3A_158 = tpu.memref_squeeze %dma_wait3A_157 : memref<1x2x128xi32, #tpu.memory_space<hbm>> -> memref<2x128xi32, #tpu.memory_space<hbm>>
          %dma_wait3A_159 = arith.constant 0 : i32
          %dma_wait3A_160 = arith.constant 0 : i32
          %dma_wait3A_161 = tpu.memref_slice %arg3[%add3A_139, %dma_wait3A_159, %dma_wait3A_160] : memref<5184x2x128xi32, #tpu.memory_space<hbm>> -> memref<1x2x128xi32, #tpu.memory_space<hbm>>
          %dma_wait3A_162 = tpu.memref_squeeze %dma_wait3A_161 : memref<1x2x128xi32, #tpu.memory_space<hbm>> -> memref<2x128xi32, #tpu.memory_space<hbm>>
          tpu.wait_dma2 semaphore(%run_scoped3A : memref<!tpu.dma_semaphore, #tpu.memory_space<semaphore_mem>>) src(%dma_wait3A_162 : memref<2x128xi32, #tpu.memory_space<hbm>>) dst(%arg6 : memref<2x128xi32, #tpu.memory_space<vmem>>)
          tpu.yield
        }) : () -> ()
        %dma_start3A_140 = arith.constant 0 : i32
        %dma_start3A_141 = arith.constant 0 : i32
        %dma_start3A_142 = tpu.memref_slice %arg6[%dma_start3A_140, %dma_start3A_141] : memref<2x128xi32, #tpu.memory_space<vmem>> -> memref<1x128xi32, #tpu.memory_space<vmem>>
        %dma_start3A_143 = tpu.memref_squeeze %dma_start3A_142 : memref<1x128xi32, #tpu.memory_space<vmem>> -> memref<128xi32, #tpu.memory_space<vmem>>
        %dma_start3A_144 = arith.constant 0 : i32
        %dma_start3A_145 = arith.constant 0 : i32
        %dma_start3A_146 = tpu.memref_slice %arg2[%dma_start3A_144, %dma_start3A_145] : memref<180000x128xf32, #tpu.memory_space<hbm>> -> memref<180000x128xf32, #tpu.memory_space<hbm>>
        tpu.enqueue_indirect_dma source(%dma_start3A_146 : memref<180000x128xf32, #tpu.memory_space<hbm>>) target(%arg9 : memref<128x128xf32, #tpu.memory_space<vmem>>) offsets(%dma_start3A_143 : memref<128xi32, #tpu.memory_space<vmem>>) semaphore(%arg12 : memref<!tpu.dma_semaphore, #tpu.memory_space<semaphore_mem>>)
      } else {
      }
      %add3A_112 = arith.constant 2 : i32
      %add3A_113 = arith.addi %add3A_65, %add3A_112 : i32
      %dma_wait3A_114 = arith.constant 0 : i32
      %dma_wait3A_115 = arith.constant 0 : i32
      %dma_wait3A_116 = tpu.memref_slice %arg8[%dma_wait3A_114, %dma_wait3A_115] : memref<2x128xi32, #tpu.memory_space<vmem>> -> memref<1x128xi32, #tpu.memory_space<vmem>>
      %dma_wait3A_117 = tpu.memref_squeeze %dma_wait3A_116 : memref<1x128xi32, #tpu.memory_space<vmem>> -> memref<128xi32, #tpu.memory_space<vmem>>
      %dma_wait3A_118 = arith.constant 0 : i32
      %dma_wait3A_119 = arith.constant 0 : i32
      %dma_wait3A_120 = tpu.memref_slice %arg2[%dma_wait3A_118, %dma_wait3A_119] : memref<180000x128xf32, #tpu.memory_space<hbm>> -> memref<180000x128xf32, #tpu.memory_space<hbm>>
      tpu.wait_indirect_dma semaphore(%arg14 : memref<!tpu.dma_semaphore, #tpu.memory_space<semaphore_mem>>) src(%dma_wait3A_120 : memref<180000x128xf32, #tpu.memory_space<hbm>>) dst(%arg11 : memref<128x128xf32, #tpu.memory_space<vmem>>)
      %dma_start3A_121 = arith.constant 1 : i32
      %dma_start3A_122 = arith.constant 0 : i32
      %dma_start3A_123 = tpu.memref_slice %arg8[%dma_start3A_121, %dma_start3A_122] : memref<2x128xi32, #tpu.memory_space<vmem>> -> memref<1x128xi32, #tpu.memory_space<vmem>>
      %dma_start3A_124 = tpu.memref_squeeze %dma_start3A_123 : memref<1x128xi32, #tpu.memory_space<vmem>> -> memref<128xi32, #tpu.memory_space<vmem>>
      %dma_start3A_125 = arith.constant 0 : i32
      %dma_start3A_126 = arith.constant 0 : i32
      %dma_start3A_127 = tpu.memref_slice %arg18[%dma_start3A_125, %dma_start3A_126] : memref<10064x128xf32, #tpu.memory_space<vmem_shared>> -> memref<10064x128xf32, #tpu.memory_space<vmem_shared>>
      tpu.enqueue_indirect_dma source(%arg11 : memref<128x128xf32, #tpu.memory_space<vmem>>) target(%dma_start3A_127 : memref<10064x128xf32, #tpu.memory_space<vmem_shared>>) offsets(%dma_start3A_124 : memref<128xi32, #tpu.memory_space<vmem>>) semaphore(%arg17 : memref<!tpu.dma_semaphore, #tpu.memory_space<semaphore_mem>>) {add = true}
      %add3A_128 = arith.constant 2 : i32
      %add3A_129 = arith.addi %add3A_113, %add3A_128 : i32
      %lt3A_130 = arith.constant 162 : i32
      %lt3A_131 = arith.cmpi slt, %add3A_129, %lt3A_130 : i32
      %convert_element_type3A_132 = arith.extui %lt3A_131 : i1 to i32
      %cond3A_133 = arith.constant 0 : i32
      %cond3A_134 = arith.cmpi ne, %convert_element_type3A_132, %cond3A_133 : i32
      scf.if %cond3A_134 {
        %ge3A = arith.constant 3 : i32
        %ge3A_135 = arith.cmpi sge, %add3A_129, %ge3A : i32
        %convert_element_type3A_136 = arith.extui %ge3A_135 : i1 to i32
        %cond3A_137 = arith.constant 0 : i32
        %cond3A_138 = arith.cmpi ne, %convert_element_type3A_136, %cond3A_137 : i32
        scf.if %cond3A_138 {
          %dma_wait3A_147 = arith.constant 1 : i32
          %dma_wait3A_148 = arith.constant 0 : i32
          %dma_wait3A_149 = tpu.memref_slice %arg7[%dma_wait3A_147, %dma_wait3A_148] : memref<2x128xi32, #tpu.memory_space<vmem>> -> memref<1x128xi32, #tpu.memory_space<vmem>>
          %dma_wait3A_150 = tpu.memref_squeeze %dma_wait3A_149 : memref<1x128xi32, #tpu.memory_space<vmem>> -> memref<128xi32, #tpu.memory_space<vmem>>
          %dma_wait3A_151 = arith.constant 0 : i32
          %dma_wait3A_152 = arith.constant 0 : i32
          %dma_wait3A_153 = tpu.memref_slice %arg18[%dma_wait3A_151, %dma_wait3A_152] : memref<10064x128xf32, #tpu.memory_space<vmem_shared>> -> memref<10064x128xf32, #tpu.memory_space<vmem_shared>>
          tpu.wait_indirect_dma semaphore(%arg16 : memref<!tpu.dma_semaphore, #tpu.memory_space<semaphore_mem>>) src(%arg10 : memref<128x128xf32, #tpu.memory_space<vmem>>) dst(%dma_wait3A_153 : memref<10064x128xf32, #tpu.memory_space<vmem_shared>>)
        } else {
        }
        %add3A_139 = arith.addi %mul3A_8, %add3A_129 : i32
        "tpu.region"() ({
          %run_scoped3A = tpu.sem_alloc : memref<!tpu.dma_semaphore, #tpu.memory_space<semaphore_mem>>
          %dma_start3A_147 = arith.constant 0 : i32
          %dma_start3A_148 = arith.constant 0 : i32
          %dma_start3A_149 = tpu.memref_slice %arg3[%add3A_139, %dma_start3A_147, %dma_start3A_148] : memref<5184x2x128xi32, #tpu.memory_space<hbm>> -> memref<1x2x128xi32, #tpu.memory_space<hbm>>
          %dma_start3A_150 = tpu.memref_squeeze %dma_start3A_149 : memref<1x2x128xi32, #tpu.memory_space<hbm>> -> memref<2x128xi32, #tpu.memory_space<hbm>>
          %dma_start3A_151 = arith.constant 0 : i32
          %dma_start3A_152 = arith.constant 0 : i32
          %dma_start3A_153 = tpu.memref_slice %arg3[%add3A_139, %dma_start3A_151, %dma_start3A_152] : memref<5184x2x128xi32, #tpu.memory_space<hbm>> -> memref<1x2x128xi32, #tpu.memory_space<hbm>>
          %dma_start3A_154 = tpu.memref_squeeze %dma_start3A_153 : memref<1x2x128xi32, #tpu.memory_space<hbm>> -> memref<2x128xi32, #tpu.memory_space<hbm>>
          tpu.enqueue_dma source(%dma_start3A_154 : memref<2x128xi32, #tpu.memory_space<hbm>>) target(%arg7 : memref<2x128xi32, #tpu.memory_space<vmem>>) target_semaphore(%run_scoped3A : memref<!tpu.dma_semaphore, #tpu.memory_space<semaphore_mem>>)
          %dma_wait3A_155 = arith.constant 0 : i32
          %dma_wait3A_156 = arith.constant 0 : i32
          %dma_wait3A_157 = tpu.memref_slice %arg3[%add3A_139, %dma_wait3A_155, %dma_wait3A_156] : memref<5184x2x128xi32, #tpu.memory_space<hbm>> -> memref<1x2x128xi32, #tpu.memory_space<hbm>>
          %dma_wait3A_158 = tpu.memref_squeeze %dma_wait3A_157 : memref<1x2x128xi32, #tpu.memory_space<hbm>> -> memref<2x128xi32, #tpu.memory_space<hbm>>
          %dma_wait3A_159 = arith.constant 0 : i32
          %dma_wait3A_160 = arith.constant 0 : i32
          %dma_wait3A_161 = tpu.memref_slice %arg3[%add3A_139, %dma_wait3A_159, %dma_wait3A_160] : memref<5184x2x128xi32, #tpu.memory_space<hbm>> -> memref<1x2x128xi32, #tpu.memory_space<hbm>>
          %dma_wait3A_162 = tpu.memref_squeeze %dma_wait3A_161 : memref<1x2x128xi32, #tpu.memory_space<hbm>> -> memref<2x128xi32, #tpu.memory_space<hbm>>
          tpu.wait_dma2 semaphore(%run_scoped3A : memref<!tpu.dma_semaphore, #tpu.memory_space<semaphore_mem>>) src(%dma_wait3A_162 : memref<2x128xi32, #tpu.memory_space<hbm>>) dst(%arg7 : memref<2x128xi32, #tpu.memory_space<vmem>>)
          tpu.yield
        }) : () -> ()
        %dma_start3A_140 = arith.constant 0 : i32
        %dma_start3A_141 = arith.constant 0 : i32
        %dma_start3A_142 = tpu.memref_slice %arg7[%dma_start3A_140, %dma_start3A_141] : memref<2x128xi32, #tpu.memory_space<vmem>> -> memref<1x128xi32, #tpu.memory_space<vmem>>
        %dma_start3A_143 = tpu.memref_squeeze %dma_start3A_142 : memref<1x128xi32, #tpu.memory_space<vmem>> -> memref<128xi32, #tpu.memory_space<vmem>>
        %dma_start3A_144 = arith.constant 0 : i32
        %dma_start3A_145 = arith.constant 0 : i32
        %dma_start3A_146 = tpu.memref_slice %arg2[%dma_start3A_144, %dma_start3A_145] : memref<180000x128xf32, #tpu.memory_space<hbm>> -> memref<180000x128xf32, #tpu.memory_space<hbm>>
        tpu.enqueue_indirect_dma source(%dma_start3A_146 : memref<180000x128xf32, #tpu.memory_space<hbm>>) target(%arg10 : memref<128x128xf32, #tpu.memory_space<vmem>>) offsets(%dma_start3A_143 : memref<128xi32, #tpu.memory_space<vmem>>) semaphore(%arg13 : memref<!tpu.dma_semaphore, #tpu.memory_space<semaphore_mem>>)
      } else {
      }
    }
    %scan3A_29 = arith.constant 54 : i32
    %dma_wait3A = arith.constant 1 : i32
    %dma_wait3A_30 = arith.constant 0 : i32
    %dma_wait3A_31 = tpu.memref_slice %arg6[%dma_wait3A, %dma_wait3A_30] : memref<2x128xi32, #tpu.memory_space<vmem>> -> memref<1x128xi32, #tpu.memory_space<vmem>>
    %dma_wait3A_32 = tpu.memref_squeeze %dma_wait3A_31 : memref<1x128xi32, #tpu.memory_space<vmem>> -> memref<128xi32, #tpu.memory_space<vmem>>
    %dma_wait3A_33 = arith.constant 0 : i32
    %dma_wait3A_34 = arith.constant 0 : i32
    %dma_wait3A_35 = tpu.memref_slice %arg18[%dma_wait3A_33, %dma_wait3A_34] : memref<10064x128xf32, #tpu.memory_space<vmem_shared>> -> memref<10064x128xf32, #tpu.memory_space<vmem_shared>>
    tpu.wait_indirect_dma semaphore(%arg15 : memref<!tpu.dma_semaphore, #tpu.memory_space<semaphore_mem>>) src(%arg9 : memref<128x128xf32, #tpu.memory_space<vmem>>) dst(%dma_wait3A_35 : memref<10064x128xf32, #tpu.memory_space<vmem_shared>>)
    %dma_wait3A_36 = arith.constant 1 : i32
    %dma_wait3A_37 = arith.constant 0 : i32
    %dma_wait3A_38 = tpu.memref_slice %arg7[%dma_wait3A_36, %dma_wait3A_37] : memref<2x128xi32, #tpu.memory_space<vmem>> -> memref<1x128xi32, #tpu.memory_space<vmem>>
    %dma_wait3A_39 = tpu.memref_squeeze %dma_wait3A_38 : memref<1x128xi32, #tpu.memory_space<vmem>> -> memref<128xi32, #tpu.memory_space<vmem>>
    %dma_wait3A_40 = arith.constant 0 : i32
    %dma_wait3A_41 = arith.constant 0 : i32
    %dma_wait3A_42 = tpu.memref_slice %arg18[%dma_wait3A_40, %dma_wait3A_41] : memref<10064x128xf32, #tpu.memory_space<vmem_shared>> -> memref<10064x128xf32, #tpu.memory_space<vmem_shared>>
    tpu.wait_indirect_dma semaphore(%arg16 : memref<!tpu.dma_semaphore, #tpu.memory_space<semaphore_mem>>) src(%arg10 : memref<128x128xf32, #tpu.memory_space<vmem>>) dst(%dma_wait3A_42 : memref<10064x128xf32, #tpu.memory_space<vmem_shared>>)
    %dma_wait3A_43 = arith.constant 1 : i32
    %dma_wait3A_44 = arith.constant 0 : i32
    %dma_wait3A_45 = tpu.memref_slice %arg8[%dma_wait3A_43, %dma_wait3A_44] : memref<2x128xi32, #tpu.memory_space<vmem>> -> memref<1x128xi32, #tpu.memory_space<vmem>>
    %dma_wait3A_46 = tpu.memref_squeeze %dma_wait3A_45 : memref<1x128xi32, #tpu.memory_space<vmem>> -> memref<128xi32, #tpu.memory_space<vmem>>
    %dma_wait3A_47 = arith.constant 0 : i32
    %dma_wait3A_48 = arith.constant 0 : i32
    %dma_wait3A_49 = tpu.memref_slice %arg18[%dma_wait3A_47, %dma_wait3A_48] : memref<10064x128xf32, #tpu.memory_space<vmem_shared>> -> memref<10064x128xf32, #tpu.memory_space<vmem_shared>>
    tpu.wait_indirect_dma semaphore(%arg17 : memref<!tpu.dma_semaphore, #tpu.memory_space<semaphore_mem>>) src(%arg11 : memref<128x128xf32, #tpu.memory_space<vmem>>) dst(%dma_wait3A_49 : memref<10064x128xf32, #tpu.memory_space<vmem_shared>>)
    %barrier3A_50 = arith.constant 0 : index
    tpu.barrier barrier_id(%barrier3A_50)
    %lt3A_51 = arith.constant 15 : i32
    %lt3A_52 = arith.cmpi slt, %arg1, %lt3A_51 : i32
    %convert_element_type3A_53 = arith.extui %lt3A_52 : i1 to i32
    %cond3A_54 = arith.constant 0 : i32
    %cond3A_55 = arith.cmpi ne, %convert_element_type3A_53, %cond3A_54 : i32
    scf.if %cond3A_55 {
      %mul3A_61 = arith.constant 632 : i32
      %mul3A_62 = arith.muli %arg1, %mul3A_61 : i32
      %mul3A_63 = arith.constant 632 : i32
      %mul3A_64 = arith.muli %arg1, %mul3A_63 : i32
      "tpu.region"() ({
        %run_scoped3A = tpu.sem_alloc : memref<!tpu.dma_semaphore, #tpu.memory_space<semaphore_mem>>
        %dma_start3A_65 = arith.constant 0 : i32
        %dma_start3A_66 = tpu.memref_slice %arg5[%arg0, %mul3A_64, %dma_start3A_65] : memref<2x10000x128xf32, #tpu.memory_space<hbm>> -> memref<1x632x128xf32, #tpu.memory_space<hbm>>
        %dma_start3A_67 = tpu.memref_squeeze %dma_start3A_66 : memref<1x632x128xf32, #tpu.memory_space<hbm>> -> memref<632x128xf32, #tpu.memory_space<hbm>>
        %dma_start3A_68 = arith.constant 0 : i32
        %dma_start3A_69 = tpu.memref_slice %arg18[%mul3A_62, %dma_start3A_68] : memref<10064x128xf32, #tpu.memory_space<vmem_shared>> -> memref<632x128xf32, #tpu.memory_space<vmem_shared>>
        tpu.enqueue_dma source(%dma_start3A_69 : memref<632x128xf32, #tpu.memory_space<vmem_shared>>) target(%dma_start3A_67 : memref<632x128xf32, #tpu.memory_space<hbm>>) target_semaphore(%run_scoped3A : memref<!tpu.dma_semaphore, #tpu.memory_space<semaphore_mem>>)
        %dma_wait3A_70 = arith.constant 0 : i32
        %dma_wait3A_71 = tpu.memref_slice %arg5[%arg0, %mul3A_64, %dma_wait3A_70] : memref<2x10000x128xf32, #tpu.memory_space<hbm>> -> memref<1x632x128xf32, #tpu.memory_space<hbm>>
        %dma_wait3A_72 = tpu.memref_squeeze %dma_wait3A_71 : memref<1x632x128xf32, #tpu.memory_space<hbm>> -> memref<632x128xf32, #tpu.memory_space<hbm>>
        %dma_wait3A_73 = arith.constant 0 : i32
        %dma_wait3A_74 = tpu.memref_slice %arg18[%mul3A_62, %dma_wait3A_73] : memref<10064x128xf32, #tpu.memory_space<vmem_shared>> -> memref<632x128xf32, #tpu.memory_space<vmem_shared>>
        tpu.wait_dma2 semaphore(%run_scoped3A : memref<!tpu.dma_semaphore, #tpu.memory_space<semaphore_mem>>) src(%dma_wait3A_74 : memref<632x128xf32, #tpu.memory_space<vmem_shared>>) dst(%dma_wait3A_72 : memref<632x128xf32, #tpu.memory_space<hbm>>)
        tpu.yield
      }) : () -> ()
    } else {
    }
    %eq3A_56 = arith.constant 15 : i32
    %eq3A_57 = arith.cmpi eq, %arg1, %eq3A_56 : i32
    %convert_element_type3A_58 = arith.extui %eq3A_57 : i1 to i32
    %cond3A_59 = arith.constant 0 : i32
    %cond3A_60 = arith.cmpi ne, %convert_element_type3A_58, %cond3A_59 : i32
    scf.if %cond3A_60 {
      "tpu.region"() ({
        %run_scoped3A = tpu.sem_alloc : memref<!tpu.dma_semaphore, #tpu.memory_space<semaphore_mem>>
        %dma_start3A_61 = arith.constant 9480 : i32
        %dma_start3A_62 = arith.constant 0 : i32
        %dma_start3A_63 = tpu.memref_slice %arg5[%arg0, %dma_start3A_61, %dma_start3A_62] : memref<2x10000x128xf32, #tpu.memory_space<hbm>> -> memref<1x520x128xf32, #tpu.memory_space<hbm>>
        %dma_start3A_64 = tpu.memref_squeeze %dma_start3A_63 : memref<1x520x128xf32, #tpu.memory_space<hbm>> -> memref<520x128xf32, #tpu.memory_space<hbm>>
        %dma_start3A_65 = arith.constant 9480 : i32
        %dma_start3A_66 = arith.constant 0 : i32
        %dma_start3A_67 = tpu.memref_slice %arg18[%dma_start3A_65, %dma_start3A_66] : memref<10064x128xf32, #tpu.memory_space<vmem_shared>> -> memref<520x128xf32, #tpu.memory_space<vmem_shared>>
        tpu.enqueue_dma source(%dma_start3A_67 : memref<520x128xf32, #tpu.memory_space<vmem_shared>>) target(%dma_start3A_64 : memref<520x128xf32, #tpu.memory_space<hbm>>) target_semaphore(%run_scoped3A : memref<!tpu.dma_semaphore, #tpu.memory_space<semaphore_mem>>)
        %dma_wait3A_68 = arith.constant 9480 : i32
        %dma_wait3A_69 = arith.constant 0 : i32
        %dma_wait3A_70 = tpu.memref_slice %arg5[%arg0, %dma_wait3A_68, %dma_wait3A_69] : memref<2x10000x128xf32, #tpu.memory_space<hbm>> -> memref<1x520x128xf32, #tpu.memory_space<hbm>>
        %dma_wait3A_71 = tpu.memref_squeeze %dma_wait3A_70 : memref<1x520x128xf32, #tpu.memory_space<hbm>> -> memref<520x128xf32, #tpu.memory_space<hbm>>
        %dma_wait3A_72 = arith.constant 9480 : i32
        %dma_wait3A_73 = arith.constant 0 : i32
        %dma_wait3A_74 = tpu.memref_slice %arg18[%dma_wait3A_72, %dma_wait3A_73] : memref<10064x128xf32, #tpu.memory_space<vmem_shared>> -> memref<520x128xf32, #tpu.memory_space<vmem_shared>>
        tpu.wait_dma2 semaphore(%run_scoped3A : memref<!tpu.dma_semaphore, #tpu.memory_space<semaphore_mem>>) src(%dma_wait3A_74 : memref<520x128xf32, #tpu.memory_space<vmem_shared>>) dst(%dma_wait3A_71 : memref<520x128xf32, #tpu.memory_space<hbm>>)
        tpu.yield
      }) : () -> ()
    } else {
    }
    return
  }
}

module attributes {stable_mosaic.version = 14 : i64} {
  func.func @_mm_body(%arg0: i32, %arg1: i32, %arg2: memref<1000x128xf32, #tpu.memory_space<vmem>>, %arg3: memref<1x128x256xf32, #tpu.memory_space<vmem>>, %arg4: memref<1x1000x256xf32, #tpu.memory_space<vmem>>) attributes {dimension_semantics = [#tpu.dimension_semantics<arbitrary>, #tpu.dimension_semantics<arbitrary>], iteration_bounds = array<i64: 9, 10>, scalar_prefetch = 0 : i64, scratch_operands = 0 : i64, tpu.core_type = #tpu.core_type<tc>, window_params = [{transform_indices = @transform_0, window_bounds = array<i64: 1000, 128>}, {transform_indices = @transform_1, window_bounds = array<i64: 1, 128, 256>}, {transform_indices = @transform_2, window_bounds = array<i64: 1, 1000, 256>}]} {
    %get3A = arith.constant 0 : index
    %get3A_0 = arith.constant 0 : index
    %get3A_1 = vector.load %arg2[%get3A, %get3A_0] : memref<1000x128xf32, #tpu.memory_space<vmem>>, vector<1000x128xf32>
    %get3A_2 = arith.constant 0 : index
    %get3A_3 = arith.constant 0 : index
    %get3A_4 = arith.constant 0 : index
    %get3A_5 = vector.load %arg3[%get3A_2, %get3A_3, %get3A_4] : memref<1x128x256xf32, #tpu.memory_space<vmem>>, vector<1x128x256xf32>
    %get3A_6 = vector.shape_cast %get3A_5 : vector<1x128x256xf32> to vector<128x256xf32>
    %dot_general3A = arith.constant dense<0.000000e+00> : vector<1000x256xf32>
    %dot_general3A_7 = tpu.matmul %get3A_1, %get3A_6, %dot_general3A {dimension_numbers = #tpu.dot_dimension_numbers<[1], [0], [0], [1], [0, 0, 1, 1], [], []>, transpose_lhs_hint = false} : vector<1000x128xf32>, vector<128x256xf32>, vector<1000x256xf32> -> vector<1000x256xf32>
    %swap3A = arith.constant 0 : index
    %swap3A_8 = arith.constant 0 : index
    %swap3A_9 = arith.constant 0 : index
    %swap3A_10 = vector.load %arg4[%swap3A, %swap3A_8, %swap3A_9] : memref<1x1000x256xf32, #tpu.memory_space<vmem>>, vector<1x1000x256xf32>
    %swap3A_11 = vector.shape_cast %swap3A_10 : vector<1x1000x256xf32> to vector<1000x256xf32>
    %swap3A_12 = vector.shape_cast %dot_general3A_7 : vector<1000x256xf32> to vector<1x1000x256xf32>
    tpu.vector_store %arg4[%swap3A, %swap3A_8, %swap3A_9], %swap3A_12 {strides = array<i32>} : memref<1x1000x256xf32, #tpu.memory_space<vmem>>, vector<1x1000x256xf32>,
    return
  }
  func.func @transform_0(%arg0: i32, %arg1: i32) -> (i32, i32) {
    %c0_i32 = arith.constant 0 : i32
    %c0_i32_0 = arith.constant 0 : i32
    return %arg1, %c0_i32 : i32, i32
  }
  func.func @transform_1(%arg0: i32, %arg1: i32) -> (i32, i32, i32) {
    %c0_i32 = arith.constant 0 : i32
    %c0_i32_0 = arith.constant 0 : i32
    %c0_i32_1 = arith.constant 0 : i32
    return %arg0, %c0_i32, %c0_i32_0 : i32, i32, i32
  }
  func.func @transform_2(%arg0: i32, %arg1: i32) -> (i32, i32, i32) {
    %c0_i32 = arith.constant 0 : i32
    %c0_i32_0 = arith.constant 0 : i32
    return %arg0, %arg1, %c0_i32 : i32, i32, i32
  }
}

module attributes {stable_mosaic.version = 14 : i64} {
  func.func @_relu_mm_body(%arg0: i32, %arg1: i32, %arg2: memref<2x1000x128xf32, #tpu.memory_space<vmem>>, %arg3: memref<1x256xf32, #tpu.memory_space<vmem>>, %arg4: memref<1x256x128xf32, #tpu.memory_space<vmem>>, %arg5: memref<1x1000x128xf32, #tpu.memory_space<vmem>>, %arg6: memref<1000x256xf32, #tpu.memory_space<vmem>>) attributes {dimension_semantics = [#tpu.dimension_semantics<arbitrary>, #tpu.dimension_semantics<arbitrary>], iteration_bounds = array<i64: 10, 9>, scalar_prefetch = 0 : i64, scratch_operands = 1 : i64, tpu.core_type = #tpu.core_type<tc>, window_params = [{transform_indices = @transform_0, window_bounds = array<i64: 2, 1000, 128>}, {pipeline_mode = #tpu.pipeline_mode<synchronous>, transform_indices = @transform_1, window_bounds = array<i64: 1, 256>}, {transform_indices = @transform_2, window_bounds = array<i64: 1, 256, 128>}, {transform_indices = @transform_3, window_bounds = array<i64: 1, 1000, 128>}]} {
    %eq3A = arith.constant 0 : i32
    %eq3A_0 = arith.cmpi eq, %arg1, %eq3A : i32
    %convert_element_type3A = arith.extui %eq3A_0 : i1 to i32
    %cond3A = arith.constant 0 : i32
    %cond3A_1 = arith.cmpi ne, %convert_element_type3A, %cond3A : i32
    scf.if %cond3A_1 {
      %get3A_15 = arith.constant 0 : index
      %get3A_16 = arith.constant 0 : index
      %get3A_17 = vector.load %arg3[%get3A_15, %get3A_16] : memref<1x256xf32, #tpu.memory_space<vmem>>, vector<1x256xf32>
      %get3A_18 = arith.constant 0 : index
      %get3A_19 = arith.constant 0 : index
      %get3A_20 = arith.constant 0 : index
      %get3A_21 = vector.load %arg2[%get3A_18, %get3A_19, %get3A_20] : memref<2x1000x128xf32, #tpu.memory_space<vmem>>, vector<1x1000x128xf32>
      %get3A_22 = vector.shape_cast %get3A_21 : vector<1x1000x128xf32> to vector<1000x128xf32>
      %slice3A = vector.extract_strided_slice %get3A_17 {offsets = [0, 0], sizes = [1, 128], strides = [1, 1]} : vector<1x256xf32> to vector<1x128xf32>
      %add3A = vector.broadcast %slice3A : vector<1x128xf32> to vector<1000x128xf32>
      %add3A_23 = arith.addf %get3A_22, %add3A : vector<1000x128xf32>
      %max3A = arith.constant 0.000000e+00 : f32
      %max3A_24 = vector.broadcast %max3A : f32 to vector<1000x128xf32>
      %max3A_25 = arith.maximumf %add3A_23, %max3A_24 : vector<1000x128xf32>
      %swap3A_26 = arith.constant 0 : index
      %swap3A_27 = arith.constant 0 : index
      %swap3A_28 = vector.load %arg6[%swap3A_26, %swap3A_27] : memref<1000x256xf32, #tpu.memory_space<vmem>>, vector<1000x128xf32>
      tpu.vector_store %arg6[%swap3A_26, %swap3A_27], %max3A_25 {strides = array<i32>} : memref<1000x256xf32, #tpu.memory_space<vmem>>, vector<1000x128xf32>,
      %get3A_29 = arith.constant 1 : index
      %get3A_30 = arith.constant 0 : index
      %get3A_31 = arith.constant 0 : index
      %get3A_32 = vector.load %arg2[%get3A_29, %get3A_30, %get3A_31] : memref<2x1000x128xf32, #tpu.memory_space<vmem>>, vector<1x1000x128xf32>
      %get3A_33 = vector.shape_cast %get3A_32 : vector<1x1000x128xf32> to vector<1000x128xf32>
      %slice3A_34 = vector.extract_strided_slice %get3A_17 {offsets = [0, 128], sizes = [1, 128], strides = [1, 1]} : vector<1x256xf32> to vector<1x128xf32>
      %add3A_35 = vector.broadcast %slice3A_34 : vector<1x128xf32> to vector<1000x128xf32>
      %add3A_36 = arith.addf %get3A_33, %add3A_35 : vector<1000x128xf32>
      %max3A_37 = arith.constant 0.000000e+00 : f32
      %max3A_38 = vector.broadcast %max3A_37 : f32 to vector<1000x128xf32>
      %max3A_39 = arith.maximumf %add3A_36, %max3A_38 : vector<1000x128xf32>
      %swap3A_40 = arith.constant 0 : index
      %swap3A_41 = arith.constant 128 : index
      %swap3A_42 = vector.load %arg6[%swap3A_40, %swap3A_41] : memref<1000x256xf32, #tpu.memory_space<vmem>>, vector<1000x128xf32>
      tpu.vector_store %arg6[%swap3A_40, %swap3A_41], %max3A_39 {strides = array<i32>} : memref<1000x256xf32, #tpu.memory_space<vmem>>, vector<1000x128xf32>,
    } else {
    }
    %get3A = arith.constant 0 : index
    %get3A_2 = arith.constant 0 : index
    %get3A_3 = vector.load %arg6[%get3A, %get3A_2] : memref<1000x256xf32, #tpu.memory_space<vmem>>, vector<1000x256xf32>
    %get3A_4 = arith.constant 0 : index
    %get3A_5 = arith.constant 0 : index
    %get3A_6 = arith.constant 0 : index
    %get3A_7 = vector.load %arg4[%get3A_4, %get3A_5, %get3A_6] : memref<1x256x128xf32, #tpu.memory_space<vmem>>, vector<1x256x128xf32>
    %get3A_8 = vector.shape_cast %get3A_7 : vector<1x256x128xf32> to vector<256x128xf32>
    %dot_general3A = arith.constant dense<0.000000e+00> : vector<1000x128xf32>
    %dot_general3A_9 = tpu.matmul %get3A_3, %get3A_8, %dot_general3A {dimension_numbers = #tpu.dot_dimension_numbers<[1], [0], [0], [1], [0, 0, 1, 1], [], []>, transpose_lhs_hint = false} : vector<1000x256xf32>, vector<256x128xf32>, vector<1000x128xf32> -> vector<1000x128xf32>
    %swap3A = arith.constant 0 : index
    %swap3A_10 = arith.constant 0 : index
    %swap3A_11 = arith.constant 0 : index
    %swap3A_12 = vector.load %arg5[%swap3A, %swap3A_10, %swap3A_11] : memref<1x1000x128xf32, #tpu.memory_space<vmem>>, vector<1x1000x128xf32>
    %swap3A_13 = vector.shape_cast %swap3A_12 : vector<1x1000x128xf32> to vector<1000x128xf32>
    %swap3A_14 = vector.shape_cast %dot_general3A_9 : vector<1000x128xf32> to vector<1x1000x128xf32>
    tpu.vector_store %arg5[%swap3A, %swap3A_10, %swap3A_11], %swap3A_14 {strides = array<i32>} : memref<1x1000x128xf32, #tpu.memory_space<vmem>>, vector<1x1000x128xf32>,
    return
  }
  func.func @transform_0(%arg0: i32, %arg1: i32) -> (i32, i32, i32) {
    %c0_i32 = arith.constant 0 : i32
    %c0_i32_0 = arith.constant 0 : i32
    %c0_i32_1 = arith.constant 0 : i32
    return %c0_i32, %arg0, %c0_i32_0 : i32, i32, i32
  }
  func.func @transform_1(%arg0: i32, %arg1: i32) -> (i32, i32) {
    %c0_i32 = arith.constant 0 : i32
    %c0_i32_0 = arith.constant 0 : i32
    %c0_i32_1 = arith.constant 0 : i32
    return %c0_i32, %c0_i32_0 : i32, i32
  }
  func.func @transform_2(%arg0: i32, %arg1: i32) -> (i32, i32, i32) {
    %c0_i32 = arith.constant 0 : i32
    %c0_i32_0 = arith.constant 0 : i32
    %c0_i32_1 = arith.constant 0 : i32
    return %arg1, %c0_i32, %c0_i32_0 : i32, i32, i32
  }
  func.func @transform_3(%arg0: i32, %arg1: i32) -> (i32, i32, i32) {
    %c0_i32 = arith.constant 0 : i32
    %c0_i32_0 = arith.constant 0 : i32
    return %arg1, %arg0, %c0_i32 : i32, i32, i32
  }
}

module attributes {stable_mosaic.version = 14 : i64} {
  func.func @_final_body(%arg0: memref<2x10000x128xf32, #tpu.memory_space<vmem>>, %arg1: memref<1x128xf32, #tpu.memory_space<vmem>>, %arg2: memref<128x8xf32, #tpu.memory_space<vmem>>, %arg3: memref<1x8xf32, #tpu.memory_space<vmem>>, %arg4: memref<1x8xf32, #tpu.memory_space<vmem>>) attributes {dimension_semantics = [], scalar_prefetch = 0 : i64, scratch_operands = 0 : i64, tpu.core_type = #tpu.core_type<tc>} {
    %get3A = arith.constant 0 : index
    %get3A_0 = arith.constant 0 : index
    %get3A_1 = arith.constant 0 : index
    %get3A_2 = vector.load %arg0[%get3A, %get3A_0, %get3A_1] : memref<2x10000x128xf32, #tpu.memory_space<vmem>>, vector<1x10000x128xf32>
    %get3A_3 = vector.shape_cast %get3A_2 : vector<1x10000x128xf32> to vector<10000x128xf32>
    %get3A_4 = arith.constant 1 : index
    %get3A_5 = arith.constant 0 : index
    %get3A_6 = arith.constant 0 : index
    %get3A_7 = vector.load %arg0[%get3A_4, %get3A_5, %get3A_6] : memref<2x10000x128xf32, #tpu.memory_space<vmem>>, vector<1x10000x128xf32>
    %get3A_8 = vector.shape_cast %get3A_7 : vector<1x10000x128xf32> to vector<10000x128xf32>
    %add3A = arith.addf %get3A_3, %get3A_8 : vector<10000x128xf32>
    %get3A_9 = arith.constant 0 : index
    %get3A_10 = arith.constant 0 : index
    %get3A_11 = vector.load %arg1[%get3A_9, %get3A_10] : memref<1x128xf32, #tpu.memory_space<vmem>>, vector<1x128xf32>
    %add3A_12 = vector.broadcast %get3A_11 : vector<1x128xf32> to vector<10000x128xf32>
    %add3A_13 = arith.addf %add3A, %add3A_12 : vector<10000x128xf32>
    %max3A = arith.constant 0.000000e+00 : f32
    %max3A_14 = vector.broadcast %max3A : f32 to vector<10000x128xf32>
    %max3A_15 = arith.maximumf %add3A_13, %max3A_14 : vector<10000x128xf32>
    %reduce_sum3A = arith.constant dense<0.000000e+00> : vector<128xf32>
    %reduce_sum3A_16 = vector.multi_reduction <add>, %max3A_15, %reduce_sum3A [0] : vector<10000x128xf32> to vector<128xf32>
    %broadcast_in_dim3A = vector.shape_cast %reduce_sum3A_16 : vector<128xf32> to vector<1x128xf32>
    %mul3A = arith.constant 9.99999974E-5 : f32
    %mul3A_17 = vector.broadcast %mul3A : f32 to vector<1x128xf32>
    %mul3A_18 = arith.mulf %broadcast_in_dim3A, %mul3A_17 : vector<1x128xf32>
    %get3A_19 = arith.constant 0 : index
    %get3A_20 = arith.constant 0 : index
    %get3A_21 = vector.load %arg2[%get3A_19, %get3A_20] : memref<128x8xf32, #tpu.memory_space<vmem>>, vector<128x8xf32>
    %dot_general3A = arith.constant dense<0.000000e+00> : vector<1x8xf32>
    %dot_general3A_22 = tpu.matmul %mul3A_18, %get3A_21, %dot_general3A {dimension_numbers = #tpu.dot_dimension_numbers<[1], [0], [0], [1], [0, 0, 1, 1], [], []>, transpose_lhs_hint = false} : vector<1x128xf32>, vector<128x8xf32>, vector<1x8xf32> -> vector<1x8xf32>
    %get3A_23 = arith.constant 0 : index
    %get3A_24 = arith.constant 0 : index
    %get3A_25 = vector.load %arg3[%get3A_23, %get3A_24] : memref<1x8xf32, #tpu.memory_space<vmem>>, vector<1x8xf32>
    %add3A_26 = arith.addf %dot_general3A_22, %get3A_25 : vector<1x8xf32>
    %reduce_max3A = arith.constant dense<0xFF800000> : vector<1xf32>
    %reduce_max3A_27 = vector.multi_reduction <maximumf>, %add3A_26, %reduce_max3A [1] : vector<1x8xf32> to vector<1xf32>
    %broadcast_in_dim3A_28 = vector.shape_cast %reduce_max3A_27 : vector<1xf32> to vector<1x1xf32>
    %sub3A = vector.broadcast %broadcast_in_dim3A_28 : vector<1x1xf32> to vector<1x8xf32>
    %sub3A_29 = arith.subf %add3A_26, %sub3A : vector<1x8xf32>
    %exp3A = math.exp %sub3A_29 : vector<1x8xf32>
    %reduce_sum3A_30 = arith.constant dense<0.000000e+00> : vector<1xf32>
    %reduce_sum3A_31 = vector.multi_reduction <add>, %exp3A, %reduce_sum3A_30 [1] : vector<1x8xf32> to vector<1xf32>
    %broadcast_in_dim3A_32 = vector.shape_cast %reduce_sum3A_31 : vector<1xf32> to vector<1x1xf32>
    %div3A = vector.broadcast %broadcast_in_dim3A_32 : vector<1x1xf32> to vector<1x8xf32>
    %div3A_33 = arith.divf %exp3A, %div3A : vector<1x8xf32>
    %swap3A = arith.constant 0 : index
    %swap3A_34 = arith.constant 0 : index
    %swap3A_35 = vector.load %arg4[%swap3A, %swap3A_34] : memref<1x8xf32, #tpu.memory_space<vmem>>, vector<1x8xf32>
    tpu.vector_store %arg4[%swap3A, %swap3A_34], %div3A_33 {strides = array<i32>} : memref<1x8xf32, #tpu.memory_space<vmem>>, vector<1x8xf32>,
    return
  }
}

</mosaic_0001>

<sc_bundles>
// kernel: kernel.10.cloned.1.call-start
scs
__scs_entry_jumppad:
0x0: {  	(pc) =	sbr.rel $0x88, $3  }
0x1: {  	(tag) =	ssettag $0x0;
	lr =	simm.s32 $0x1  }
0x2: {  	[smem:$0x3F96] =	sst lr;
	_ =	strace $0xD0000000  }
0x3: {  	_ = 	snop  }
0x4: {  	_ = 	snop  }
0x5: {  	_ = 	snop  }
0x6: {  	_ = 	snop  }
0x7: {  	_ = 	snop  }
__scs_overlays_trampoline_lowered:
0x8: {  	[smem:$0x3FA5] =	sst s0  }
0x9: {  	[smem:$0x3FA6] =	sst s1  }
0xa: {  	[smem:$0x3FA7] =	sst s2  }
0xb: {  	[smem:$0x3FA8] =	sst s3  }
0xc: {  	[smem:$0x3FA9] =	sst s4  }
0xd: {  	[smem:$0x3FAA] =	sst s5  }
0xe: {  	[smem:$0x3FAB] =	sst s6  }
0xf: {  	[smem:$0x3FAC] =	sst s7  }
0x10: {  	[smem:$0x3FAD] =	sst s8  }
0x11: {  	[smem:$0x3FAE] =	sst s9;
	s0 =	simm.s32 @!p0 $0x0  }
0x12: {  	s1 =	sld [smem:$0x3F94];
	s0 =	simm.s32 @p0 $0x1  }
0x13: {  	[smem:$0x3FAF] =	sst s0;
	s0 =	simm.s32 @!p1 $0x0  }
0x14: {  	s2 =	sld [smem:$0x3F93];
	s0 =	simm.s32 @p1 $0x1  }
0x15: {  	[smem:$0x3FB0] =	sst s0;
	s0 =	simm.s32 @!p2 $0x0  }
0x16: {  	s3 =	sld [smem:$0x3FDB];
	s0 =	simm.s32 @p2 $0x1  }
0x17: {  	s4 =	simm.s32 $0x1BF5;
	[smem:$0x3FB2] =	sst s0  }
0x18: {  	s0 =	sld [smem:$0x3F95];
	_ =	swait.ge [sflag:s4], $0x0  }
0x19: {  	s7 =	sld [smem:$0x3F96]  }
0x1a: {  	s8 =	sadd.s32 $0xFFFFE003, lr  }
0x1b: {  	s9 =	sadd.s32 $0xFFFFFEF7, lr;
	s5 =	simm.s32 $0xFFFFFFFF;
	p2 =	slt.u32 s8, $0xFFFFF086  }
0x1c: {  	p1 =	slt.u32 s9, $0xF7A;
	s5 =	simm.s32 @!p2 $0x0  }
0x1d: {  	s5 =	simm.s32 @p1 $0x1;
	p0 =	seq.s32 s7, s2  }
0x1e: {  	s7 =	smul.u32 @!p0 $0xF7A, s2;
	p2 =	seq.s32 @!p0 s5, $0x0  }
0x1f: {  	s9 =	smul.u32 $0xF7A, s1;
	s8 =	simm.s32 @!p0 $0x1BF5;
	p2 =	por !p2, p0  }
0x20: {  	[sflag:s8] =	ssyncset.s32 @!p0 $0xFFFFF086;
	s6 =	sadd.s32 @!p0 s3, s7;
	s7 =	simm.s32 @!p0 $0x108  }
0x21: {  	s3 =	sadd.s32 s3, s9;
	s6 =	sadd.s32 @!p0 $0x88, s6;
	s7 =	simm.s32 @p2 $0x1082  }
0x22: {  	[simem:s7], [sflag:s8] =	dma.local @!p0 [hbm:s6], $0xF7A  }
0x23: {  	s9 =	sor.u32 $0xD0000000, s2;
	s6 =	simm.s32 $0x108;
	_ =	swait.ge @!p0 [sflag:s8], $0x0  }
0x24: {  	s3 =	sadd.s32 $0x88, s3;
	s6 =	simm.s32 @!p1 $0x1082;
	[sflag:s4] =	ssyncset.s32 $0xFFFFF086  }
0x25: {  	[simem:s6], [sflag:s4] =	dma.local [hbm:s3], $0xF7A  }
0x26: {  	[smem:$0x3F96] =	sst s1;
	(tag) =	ssettag s2;
	_ =	strace s9  }
0x27: {  	s1 =	sld [smem:$0x3FA6]  }
0x28: {  	s2 =	sld [smem:$0x3FA7]  }
0x29: {  	s4 =	sld [smem:$0x3FA9]  }
0x2a: {  	p0 =	seq.s32 s5, $0x0;
	s5 =	sld [smem:$0x3FAA]  }
0x2b: {  	s6 =	sld [smem:$0x3FAB]  }
0x2c: {  	s7 =	sld [smem:$0x3FAC]  }
0x2d: {  	s3 =	simm.s32 $0x108;
	s8 =	sld [smem:$0x3FAD]  }
0x2e: {  	s3 =	simm.s32 @!p0 $0x1082;
	s9 =	sld [smem:$0x3FAE]  }
0x2f: {  	lr =	sadd.s32 s0, s3;
	s0 =	sld [smem:$0x3FA5]  }
0x30: {  	s3 =	sld [smem:$0x3FA8]  }
0x31: {  	[smem:$0x3FB1] =	sst s10  }
0x32: {  	s10 =	sld [smem:$0x3FAF];
	_ =	sdelay $0x3  }
0x33: {  	p0 =	seq.s32 s10, $0x1;
	s10 =	sld [smem:$0x3FB1];
	_ =	sdelay $0x3  }
0x34: {  	[smem:$0x3FB1] =	sst s10  }
0x35: {  	s10 =	sld [smem:$0x3FB0];
	_ =	sdelay $0x3  }
0x36: {  	p1 =	seq.s32 s10, $0x1;
	s10 =	sld [smem:$0x3FB1];
	_ =	sdelay $0x3  }
0x37: {  	[smem:$0x3FB1] =	sst s10  }
0x38: {  	s10 =	sld [smem:$0x3FB2]  }
0x39: {  	_ = 	snop;
	(pc) =	sbr.ind lr, $3  }
0x3a: {  	_ = 	snop  }
0x3b: {  	_ = 	snop  }
0x3c: {  	p2 =	seq.s32 s10, $0x1;
	s10 =	sld [smem:$0x3FB1]  }
0x3d: {  	_ =	shalt  }
0x3e: {  	_ =	shalt  }
0x3f: {  	_ =	shalt  }
0x40: {  	_ =	shalt  }
0x41: {  	_ =	shalt  }
0x42: {  	_ =	shalt  }
0x43: {  	_ =	shalt  }
0x44: {  	_ =	shalt  }
0x45: {  	_ =	shalt  }
0x46: {  	_ =	shalt  }
0x47: {  	_ =	shalt  }
0x48: {  	_ =	shalt  }
0x49: {  	_ =	shalt  }
0x4a: {  	_ =	shalt  }
0x4b: {  	_ =	shalt  }
0x4c: {  	_ =	shalt  }
0x4d: {  	_ =	shalt  }
0x4e: {  	_ =	shalt  }
0x4f: {  	_ =	shalt  }
0x50: {  	_ =	shalt  }
0x51: {  	_ =	shalt  }
0x52: {  	_ =	shalt  }
0x53: {  	_ =	shalt  }
0x54: {  	_ =	shalt  }
0x55: {  	_ =	shalt  }
0x56: {  	_ =	shalt  }
0x57: {  	_ =	shalt  }
0x58: {  	_ =	shalt  }
0x59: {  	_ =	shalt  }
0x5a: {  	_ =	shalt  }
0x5b: {  	_ =	shalt  }
0x5c: {  	_ =	shalt  }
0x5d: {  	_ =	shalt  }
0x5e: {  	_ =	shalt  }
0x5f: {  	_ =	shalt  }
0x60: {  	_ =	shalt  }
0x61: {  	_ =	shalt  }
0x62: {  	_ =	shalt  }
0x63: {  	_ =	shalt  }
0x64: {  	_ =	shalt  }
0x65: {  	_ =	shalt  }
0x66: {  	_ =	shalt  }
0x67: {  	_ =	shalt  }
0x68: {  	_ =	shalt  }
0x69: {  	_ =	shalt  }
0x6a: {  	_ =	shalt  }
0x6b: {  	_ =	shalt  }
0x6c: {  	_ =	shalt  }
0x6d: {  	_ =	shalt  }
0x6e: {  	_ =	shalt  }
0x6f: {  	_ =	shalt  }
0x70: {  	_ =	shalt  }
0x71: {  	_ =	shalt  }
0x72: {  	_ =	shalt  }
0x73: {  	_ =	shalt  }
0x74: {  	_ =	shalt  }
0x75: {  	_ =	shalt  }
0x76: {  	_ =	shalt  }
0x77: {  	_ =	shalt  }
0x78: {  	_ =	shalt  }
0x79: {  	_ =	shalt  }
0x7a: {  	_ =	shalt  }
0x7b: {  	_ =	shalt  }
0x7c: {  	_ =	shalt  }
0x7d: {  	_ =	shalt  }
0x7e: {  	_ =	shalt  }
0x7f: {  	_ =	shalt  }
0x80: {  	_ =	shalt  }
0x81: {  	_ =	shalt  }
0x82: {  	_ =	shalt  }
0x83: {  	_ =	shalt  }
0x84: {  	_ =	shalt  }
0x85: {  	_ =	shalt  }
0x86: {  	_ =	shalt  }
0x87: {  	_ =	shalt  }
.Lfunc_end0:
.L_simem_size_0:
called_computation.1_lowered:
.L_overlay_start_0:
0x88: {  	s2 =	sld [smem:$0x3FD9]  }
0x89: {  	s3 =	sld [smem:$0x3FFE];
	_ =	sdelay $0x1  }
0x8a: {  	s1 =	srdreg.scid  }
0x8b: {  	s0 =	sand.u32 $0x1, s1  }
0x8c: {  	s16 =	sshll.u32 s0, $0xA;
	s2 =	sadd.s32 s3, s2  }
0x8d: {  	s2 =	sadd.s32 s2, s16  }
0x8e: {  	[smem:$0x3FBD] =	sst s2  }
0x8f: {  	_ = 	snop  }
0x90: {  	(tm) =	ssettm $0x1  }
0x91: {  	s17 =	sld [smem:$0x3FFB];
	_ =	sdelay $0x3  }
0x92: {  	_ =	strace s17  }
0x93: {  	s2 =	sld [smem:$0x3FFC];
	_ =	sdelay $0x3  }
0x94: {  	_ =	strace s2  }
0x95: {  	s2 =	sld [smem:$0x3FFD];
	_ =	sdelay $0x3  }
0x96: {  	_ =	strace s2  }
0x97: {  	_ =	strace $0x8FFFFFFF  }
0x98: {  	s18 =	sld [smem:$0x3FDB];
	_ =	sdelay $0x1  }
0x99: {  	s19 =	simm.s32 $_scs_section_size  }
0x9a: {  	s4 =	simm.s32 $_size__tile_overlayer_lowered;
	s5 =	simm.s32 $_tile_overlayer_lowered  }
0x9b: {  	s22 =	simm.s32 $0x1BFF;
	s21 =	sshll.u32 s5, $0x1;
	s2 =	sadd.s32 s19, s18  }
0x9c: {  	s6 =	simm.s32 $0x0;
	s20 =	sshll.u32 s4, $0x1;
	s4 =	sadd.s32 s21, s2  }
0x9d: {  	[timem:s6], [sflag:s22] =	dma.local [hbm:s4], s20  }
0x9e: {  	_ =	swait.ge [sflag:s22], s20  }
0x9f: {  	s3 =	ssub.s32 $0x0, s20;
	[sflag:s22] =	ssyncset.done $0x0  }
0xa0: {  	[sflag:s22] =	ssyncadd.s32 s3;
	_ =	sdelay $0x1  }
0xa1: {  	s23 =	simm.s32 $0x1B8B  }
0xa2: {  	_ =	swait.ge [sflag:s23], $0x1  }
0xa3: {  	[sflag:s23] =	ssyncset.done $0x0  }
0xa4: {  	s25 =	simm.s32 $0x1B8E;
	s24 =	sld [smem:$0x3FFE];
	[sflag:s23] =	ssyncadd.s32 $0xFFFFFFFF  }
0xa5: {  	s26 =	simm.s32 $execute0_lowered;
	[smem:$0x3FD2] =	sst s25  }
0xa6: {  	s4 =	sshll.u32 s26, $0x1;
	_ =	strace $0x80000049;
	[dreg:$0x1] =	wrdreg $0xFFFFFFFF  }
0xa7: {  	s28 =	simm.s32 $_size_execute0_lowered;
	s2 =	sadd.s32 s2, s4;
	[dreg:$0x0] =	wrdreg $0x0  }
0xa8: {  	s4 =	sshll.u32 s28, $0x1;
	[dreg:$0x2] =	wrdreg s2  }
0xa9: {  	[dreg:$0x3] =	wrdreg s4  }
0xaa: {  	[dreg:$0x4] =	wrdreg $0xC0  }
0xab: {  	_ =	task [dreg:s6], $0x5FFFF  }
0xac: {  	[dreg:$0x1] =	wrdreg $0xFFFFFFFF  }
0xad: {  	[dreg:$0x0] =	wrdreg $0x60  }
0xae: {  	[dreg:$0x2] =	wrdreg s24  }
0xaf: {  	[dreg:$0x3] =	wrdreg $0xC3000  }
0xb0: {  	[dreg:$0x4] =	wrdreg $0x9  }
0xb1: {  	_ =	task.clear_ibuf [dreg:s6], $0x5FFFF;
	_ =	strace $0x90000049  }
0xb2: {  	s29 =	simm.s32 $0x9;
	_ =	strace $0x8000004B  }
0xb3: {  	_ =	swait.ge [sflag:s29], $0x1  }
0xb4: {  	[sflag:s29] =	ssyncadd.s32 $0xFFFFFFFF  }
0xb5: {  	_ =	strace $0x9000004B  }
0xb6: {  	_ =	sfence  }
0xb7: {  	s30 =	sld [smem:$0x0];
	_ =	sdelay $0x2  }
0xb8: {  	s31 =	sshll.u32 s1, $0xD;
	s1 =	sshrl.u32 s1, $0x2  }
0xb9: {  	s3 =	sand.u32 $0x4000, s31;
	s1 =	sadd.s32 s1, s30  }
0xba: {  	s0 =	sor.u32 s3, s0;
	s1 =	sshll.u32 s1, $0x11  }
0xbb: {  	s0 =	sor.u32 s1, s0  }
0xbc: {  	s0 =	sadd.s32 $0x8F2B, s0  }
0xbd: {  	[sflag:s0] =	ssyncadd.remote.s32 $0x1  }
0xbe: {  	_ =	sfence.sel $0xFFFF  }
0xbf: {  	[dreg:$0x0] =	wrdreg $0xFFFFFFFF;
	(pc) =	sbr.abs _section_cstart, $3  }
0xc0: {  	[dreg:$0x1] =	wrdreg $0xFFFFFFFF  }
0xc1: {  	_ =	task.clear_ibuf [dreg:s6], $0x2FFFF;
	_ =	strace $0x9FFFFFFF  }
0xc2: {  	(tm) =	ssettm $0x7FFFFFFF  }
0xc3: {  	_ =	shalt  }
tec
execute0_lowered:
.L_overlay_start_1:
0x0: {  	(tag) =	ssettag $0x1  }
0x1: {  	s0 =	rddreg [dreg:$0x0]  }
0x2: {  	s1 =	rddreg [dreg:$0x1]  }
0x3: {  	s2 =	simm.s32 $0x0;
	s3 =	srdreg.scid;
	s18 =	stileid.u32  }
0x4: {  	s28 =	simm.s32 $0x8300;
	s29 =	simm.s32 $0x2;
	s30 =	simm.s32 $0x180  }
0x5: {  	s31 =	simm.s32 $0x4;
	[smem:$0x7FF] =	sst s2;
	s4 =	sadd.s32 $0x8EE00, s0  }
0x6: {  	s3 =	sand.u32 $0x1, s3;
	s7 =	sadd.s32 $0x7AA00, s0;
	s8 =	smul.u32 $0x4F000, s18  }
0x7: {  	s5 =	sadd.s32 $0x2A000, s0;
	s0 =	sadd.s32 $0x2C800, s0;
	s13 =	smul.u32 $0x13C00, s18  }
0x8: {  	s17 =	sadd.s32 $0x128400, s1;
	s21 =	smul.u32 $0x51, s18;
	p0 =	seq.s32 s18, $0xF  }
0x9: {  	_ =	strace $0x8000004A;
	s6 =	sshll.u32 s3, $0x4;
	s16 =	smul.u32 $0x138800, s3  }
0xa: {  	s9 =	ssub.s32 $0x2, s3;
	s3 =	smul.u32 $0x510, s3;
	s6 =	sor.u32 s18, s6  }
0xb: {  	s17 =	sshrl.u32 @p0 s17, $0x3;
	s11 =	sshrl.u32 s9, $0x1;
	s10 =	smul.u32 $0xA20, s6  }
0xc: {  	s8 =	sshrl.u32 s8, $0x2;
	s6 =	smul.u32 $0x5100, s6;
	s9 =	ssub.s32 s9, s11  }
0xd: {  	s8 =	sadd.s32 s8, s1;
	s20 =	sadd.s32 s13, s16;
	s11 =	sshrl.u32 s16, $0x3  }
0xe: {  	s24 =	sadd.s32 s21, s3;
	s21 =	simm.s32 $0x80;
	s3 =	simm.s32 $0x280  }
0xf: {  	s22 =	sshrl.u32 s20, $0x3;
	s11 =	sadd.s32 s0, s11;
	s25 =	smax.u32 s9, $0x1  }
0x10: {  	s20 =	simm.s32 $0x7;
	s9 =	simm.s32 $0x0;
	s12 =	sshrl.u32 s6, $0x3  }
0x11: {  	s6 =	sadd.s32 s7, s10;
	s0 =	sadd.s32 s0, s22;
	[dreg:$0x6] =	wrdreg s25  }
0x12: {  	s23 =	sadd.s32 $0x25080, s11;
	s22 =	simm.s32 $0x300;
	[dreg:$0x4] =	wrdreg s0  }
0x13: {  	s25 =	simm.s32 $0x1;
	s19 =	sadd.s32 s7, s12;
	[dreg:$0x5] =	wrdreg s23  }
0x14: {  	s26 =	sadd.s32 $0x40, s6;
	s0 =	sshll.u32 s24, $0x5;
	s12 =	sadd.s32 $0x60, s6  }
0x15: {  	s13 =	sadd.s32 $0x80, s6;
	s23 =	simm.s32 $0x100;
	s24 =	simm.s32 $0x4300  }
.Ltmp0:
0x16: {  	s10 =	sadd.s32 $0x20, s19;
	[dreg:$0x7] =	wrdreg s26;
	(pc) =	sbr.rel .LBB2_1-.Ltmp0, $4  }
0x17: {  	s0 =	sadd.s32 s7, s0;
	s19 =	sshrl.u32 @!p0 s8, $0x3;
	s26 =	simm.s32 $0x200  }
0x18: {  	s7 =	simm.s32 $0x5;
	s8 =	simm.s32 $0x6;
	s14 =	sadd.s32 $0xE0, s0  }
0x19: {  	s15 =	sadd.s32 $0xC0, s0;
	s16 =	sadd.s32 $0xA0, s0;
	s0 =	sshll.u32 @!p0 s18, $0x6  }
0x1a: {  	[dreg:$0x3] =	wrdreg s10;
	s18 =	sor.u32 @!p0 $0x1C07, s0;
	s0 =	simm.s32 $0x3  }
.LBB2_4:
0x1b: {  	_ =	swait.ge [sflag:s0], $0x4000  }
0x1c: {  	[sflag:s0] =	ssyncset.done $0x0  }
0x1d: {  	[sflag:s0] =	ssyncadd.s32 $0xFFFFC000  }
0x1e: {  	[spmem:s1] =	stream.indirect.scatter.add.f32 [tilespmem:s28], [sflag:$0x6], $0x80, s3, s21, $0xb8;
	[tilespmem:$0x1FD80] =	vst v63  }
0x1f: {  	_ =	swait.ge [sflag:s31], $0x4000  }
0x20: {  	[sflag:s31] =	ssyncset.done $0x0  }
0x21: {  	[sflag:s31] =	ssyncadd.s32 $0xFFFFC000  }
0x22: {  	_ =	swait.ge [sflag:s7], $0x4000  }
0x23: {  	[sflag:s7] =	ssyncset.done $0x0  }
0x24: {  	[sflag:s7] =	ssyncadd.s32 $0xFFFFC000  }
0x25: {  	_ =	swait.ge [sflag:s8], $0x4000  }
0x26: {  	[sflag:s8] =	ssyncset.done $0x0  }
0x27: {  	[sflag:s8] =	ssyncadd.s32 $0xFFFFC000  }
0x28: {  	[bflag:$0x0] =	sbarrier.arrive $0xFFFF  }
0x29: {  	s10 =	simm.s32 @p0 $0x1FC7;
	s11 =	rddreg [dreg:$0x5]  }
0x2a: {  	[hbm:s11], [sflag:s10] =	dma.local @p0 [spmem:s17], $0x2080  }
0x2b: {  	s10 =	simm.s32 @p0 $0x7  }
0x2c: {  	_ =	swait.ge @p0 [sflag:s10], $0x2080  }
0x2d: {  	[sflag:s10] =	ssyncset.done @p0 $0x0  }
0x2e: {  	[sflag:s10] =	ssyncadd.s32 @p0 $0xFFFFDF80;
	s10 =	rddreg [dreg:$0x4]  }
0x2f: {  	[hbm:s10], [sflag:s18] =	dma.local @!p0 [spmem:s19], $0x2780  }
0x30: {  	s10 =	simm.s32 @!p0 $0x7  }
0x31: {  	_ =	swait.ge @!p0 [sflag:s10], $0x2780  }
0x32: {  	s9 =	sadd.s32 $0x1, s9;
	s11 =	rddreg [dreg:$0x6]  }
0x33: {  	p1 =	sne.s32 s9, s11  }
.Ltmp1:
0x34: {  	_ = 	snop;
	(pc) =	sbr.rel @!p1 .LBB2_5-.Ltmp1, $3  }
0x35: {  	_ =	sdelay $0x1  }
0x36: {  	[sflag:s10] =	ssyncset.done @!p0 $0x0  }
0x37: {  	[sflag:s10] =	ssyncadd.s32 @!p0 $0xFFFFD880  }
.LBB2_1:
0x38: {  	s10 =	simm.s32 @p0 $0x1FC7  }
0x39: {  	[spmem:s17], [sflag:s10] =	dma.local @p0 [hbm:s5], $0x2480  }
0x3a: {  	s10 =	simm.s32 @p0 $0x7  }
0x3b: {  	_ =	swait.ge @p0 [sflag:s10], $0x2480  }
0x3c: {  	[sflag:s10] =	ssyncset.done @p0 $0x0  }
0x3d: {  	[sflag:s10] =	ssyncadd.s32 @p0 $0xFFFFDB80;
	s10 =	simm.s32 @!p0 $0x7  }
0x3e: {  	[spmem:s19], [sflag:s18] =	dma.local @!p0 [hbm:s5], $0x2780  }
0x3f: {  	_ =	swait.ge @!p0 [sflag:s10], $0x2780  }
0x40: {  	[sflag:s10] =	ssyncset.done @!p0 $0x0  }
0x41: {  	[sflag:s10] =	ssyncadd.s32 @!p0 $0xFFFFD880  }
0x42: {  	[bflag:$0x0] =	sbarrier.arrive $0xFFFF  }
0x43: {  	[tilespmem:s2], [sflag:$0x7] =	stream.linear.gather [hbm4b:s6+s2], $0x100, $0x38;
	[tilespmem:$0x1FD80] =	vst v63  }
0x44: {  	_ =	swait.ge [sflag:s20], $0x100  }
0x45: {  	[sflag:s20] =	ssyncset.done $0x0  }
0x46: {  	[sflag:s20] =	ssyncadd.s32 $0xFFFFFF00  }
0x47: {  	[tilespmem:s22], [sflag:$0x1] =	stream.indirect.gather [hbm4b:s4+s21], $0x80, s2, s21, $0xb8;
	[tilespmem:$0x1FD80] =	vst v63  }
0x48: {  	s11 =	rddreg [dreg:$0x3]  }
0x49: {  	[tilespmem:s23], [sflag:$0x7] =	stream.linear.gather [hbm4b:s11+s2], $0x100, $0x38;
	[tilespmem:$0x1FD80] =	vst v63  }
0x4a: {  	_ =	swait.ge [sflag:s20], $0x100  }
0x4b: {  	[sflag:s20] =	ssyncset.done $0x0  }
0x4c: {  	[sflag:s20] =	ssyncadd.s32 $0xFFFFFF00  }
0x4d: {  	[tilespmem:s24], [sflag:$0x2] =	stream.indirect.gather [hbm4b:s4+s21], $0x80, s23, s21, $0xb8;
	[tilespmem:$0x1FD80] =	vst v63  }
0x4e: {  	_ =	swait.ge [sflag:s25], $0x4000  }
0x4f: {  	[sflag:s25] =	ssyncset.done $0x0  }
0x50: {  	[sflag:s25] =	ssyncadd.s32 $0xFFFFC000  }
0x51: {  	[spmem:s1] =	stream.indirect.scatter.add.f32 [tilespmem:s22], [sflag:$0x4], $0x80, s21, s21, $0xb8;
	[tilespmem:$0x1FD80] =	vst v63  }
0x52: {  	s11 =	rddreg [dreg:$0x7]  }
0x53: {  	[tilespmem:s26], [sflag:$0x7] =	stream.linear.gather [hbm4b:s11+s2], $0x100, $0x38;
	[tilespmem:$0x1FD80] =	vst v63  }
0x54: {  	_ =	swait.ge [sflag:s20], $0x100  }
0x55: {  	[sflag:s20] =	ssyncset.done $0x0  }
0x56: {  	[sflag:s20] =	ssyncadd.s32 $0xFFFFFF00  }
0x57: {  	[tilespmem:s28], [sflag:$0x3] =	stream.indirect.gather [hbm4b:s4+s21], $0x80, s26, s21, $0xb8;
	[tilespmem:$0x1FD80] =	vst v63  }
0x58: {  	_ =	swait.ge [sflag:s29], $0x4000  }
0x59: {  	[sflag:s29] =	ssyncset.done $0x0  }
0x5a: {  	[sflag:s29] =	ssyncadd.s32 $0xFFFFC000  }
0x5b: {  	[spmem:s1] =	stream.indirect.scatter.add.f32 [tilespmem:s24], [sflag:$0x5], $0x80, s30, s21, $0xb8;
	[tilespmem:$0x1FD80] =	vst v63  }
0x5c: {  	_ =	swait.ge [sflag:s31], $0x4000  }
0x5d: {  	[sflag:s31] =	ssyncset.done $0x0  }
0x5e: {  	[sflag:s31] =	ssyncadd.s32 $0xFFFFC000  }
0x5f: {  	[tilespmem:s2], [sflag:$0x7] =	stream.linear.gather [hbm4b:s12+s2], $0x100, $0x38;
	[tilespmem:$0x1FD80] =	vst v63  }
0x60: {  	_ =	swait.ge [sflag:s20], $0x100  }
0x61: {  	[sflag:s20] =	ssyncset.done $0x0  }
0x62: {  	[sflag:s20] =	ssyncadd.s32 $0xFFFFFF00  }
0x63: {  	[tilespmem:s22], [sflag:$0x1] =	stream.indirect.gather [hbm4b:s4+s21], $0x80, s2, s21, $0xb8;
	[tilespmem:$0x1FD80] =	vst v63  }
0x64: {  	_ =	swait.ge [sflag:s0], $0x4000  }
0x65: {  	[sflag:s0] =	ssyncset.done $0x0  }
0x66: {  	[sflag:s0] =	ssyncadd.s32 $0xFFFFC000  }
0x67: {  	[spmem:s1] =	stream.indirect.scatter.add.f32 [tilespmem:s28], [sflag:$0x6], $0x80, s3, s21, $0xb8;
	[tilespmem:$0x1FD80] =	vst v63  }
0x68: {  	_ =	swait.ge [sflag:s7], $0x4000  }
0x69: {  	[sflag:s7] =	ssyncset.done $0x0  }
0x6a: {  	[sflag:s7] =	ssyncadd.s32 $0xFFFFC000  }
0x6b: {  	[tilespmem:s23], [sflag:$0x7] =	stream.linear.gather [hbm4b:s13+s2], $0x100, $0x38;
	[tilespmem:$0x1FD80] =	vst v63  }
0x6c: {  	_ =	swait.ge [sflag:s20], $0x100  }
0x6d: {  	[sflag:s20] =	ssyncset.done $0x0  }
0x6e: {  	s10 =	simm.s32 $0x0;
	[sflag:s20] =	ssyncadd.s32 $0xFFFFFF00  }
0x6f: {  	[tilespmem:s24], [sflag:$0x2] =	stream.indirect.gather [hbm4b:s4+s21], $0x80, s23, s21, $0xb8;
	[tilespmem:$0x1FD80] =	vst v63  }
.LBB2_2:
0x70: {  	_ =	swait.ge [sflag:s25], $0x4000  }
0x71: {  	[sflag:s25] =	ssyncset.done $0x0  }
0x72: {  	[sflag:s25] =	ssyncadd.s32 $0xFFFFC000  }
0x73: {  	[spmem:s1] =	stream.indirect.scatter.add.f32 [tilespmem:s22], [sflag:$0x4], $0x80, s21, s21, $0xb8;
	[tilespmem:$0x1FD80] =	vst v63  }
0x74: {  	_ =	swait.ge [sflag:s8], $0x4000  }
0x75: {  	[sflag:s8] =	ssyncset.done $0x0  }
0x76: {  	s11 =	sadd.s32 s10, s16;
	[sflag:s8] =	ssyncadd.s32 $0xFFFFC000  }
0x77: {  	[tilespmem:s26], [sflag:$0x7] =	stream.linear.gather [hbm4b:s11+s2], $0x100, $0x38;
	[tilespmem:$0x1FD80] =	vst v63  }
0x78: {  	_ =	swait.ge [sflag:s20], $0x100  }
0x79: {  	[sflag:s20] =	ssyncset.done $0x0  }
0x7a: {  	p1 =	seq.s32 s10, $0x960;
	[sflag:s20] =	ssyncadd.s32 $0xFFFFFF00  }
0x7b: {  	[tilespmem:s28], [sflag:$0x3] =	stream.indirect.gather [hbm4b:s4+s21], $0x80, s26, s21, $0xb8;
	[tilespmem:$0x1FD80] =	vst v63  }
.Ltmp2:
0x7c: {  	_ = 	snop;
	(pc) =	sbr.rel @p1 .LBB2_4-.Ltmp2, $4  }
0x7d: {  	_ =	swait.ge [sflag:s29], $0x4000  }
0x7e: {  	[sflag:s29] =	ssyncset.done $0x0  }
0x7f: {  	[sflag:s29] =	ssyncadd.s32 $0xFFFFC000  }
0x80: {  	[spmem:s1] =	stream.indirect.scatter.add.f32 [tilespmem:s24], [sflag:$0x5], $0x80, s30, s21, $0xb8;
	[tilespmem:$0x1FD80] =	vst v63  }
0x81: {  	_ =	swait.ge [sflag:s31], $0x4000  }
0x82: {  	[sflag:s31] =	ssyncset.done $0x0  }
0x83: {  	s11 =	sadd.s32 s10, s15;
	[sflag:s31] =	ssyncadd.s32 $0xFFFFC000  }
0x84: {  	[tilespmem:s2], [sflag:$0x7] =	stream.linear.gather [hbm4b:s11+s2], $0x100, $0x38;
	[tilespmem:$0x1FD80] =	vst v63  }
0x85: {  	_ =	swait.ge [sflag:s20], $0x100  }
0x86: {  	[sflag:s20] =	ssyncset.done $0x0  }
0x87: {  	[sflag:s20] =	ssyncadd.s32 $0xFFFFFF00  }
0x88: {  	[tilespmem:s22], [sflag:$0x1] =	stream.indirect.gather [hbm4b:s4+s21], $0x80, s2, s21, $0xb8;
	[tilespmem:$0x1FD80] =	vst v63  }
0x89: {  	_ =	swait.ge [sflag:s0], $0x4000  }
0x8a: {  	[sflag:s0] =	ssyncset.done $0x0  }
0x8b: {  	[sflag:s0] =	ssyncadd.s32 $0xFFFFC000  }
0x8c: {  	[spmem:s1] =	stream.indirect.scatter.add.f32 [tilespmem:s28], [sflag:$0x6], $0x80, s3, s21, $0xb8;
	[tilespmem:$0x1FD80] =	vst v63  }
0x8d: {  	_ =	swait.ge [sflag:s7], $0x4000  }
0x8e: {  	[sflag:s7] =	ssyncset.done $0x0  }
0x8f: {  	s11 =	sadd.s32 s10, s14;
	[sflag:s7] =	ssyncadd.s32 $0xFFFFC000  }
0x90: {  	[tilespmem:s23], [sflag:$0x7] =	stream.linear.gather [hbm4b:s11+s2], $0x100, $0x38;
	[tilespmem:$0x1FD80] =	vst v63  }
.Ltmp3:
0x91: {  	_ = 	snop;
	(pc) =	sbr.rel .LBB2_2-.Ltmp3, $4  }
0x92: {  	_ =	swait.ge [sflag:s20], $0x100  }
0x93: {  	[sflag:s20] =	ssyncset.done $0x0  }
0x94: {  	s10 =	sadd.s32 $0x60, s10;
	[sflag:s20] =	ssyncadd.s32 $0xFFFFFF00  }
0x95: {  	[tilespmem:s24], [sflag:$0x2] =	stream.indirect.gather [hbm4b:s4+s21], $0x80, s23, s21, $0xb8;
	[tilespmem:$0x1FD80] =	vst v63  }
.LBB2_5:
0x96: {  	_ =	sfence.sel $0x180000  }
0x97: {  	[bflag:$0x0] =	sbarrier.arrive $0xFFFF  }
0x98: {  	_ =	strace $0x9000004A  }
0x99: {  	s0 =	stileid.u32;
	[bflag:$0x2] =	sbarrier.arrive $0xFFFF  }
0x9a: {  	p0 =	sne.s32 s0, $0x0;
	s0 =	rddreg [dreg:$0x2]  }
0x9b: {  	s0 =	sadd.s32 @!p0 $0x100000, s0  }
0x9c: {  	[sflag:s0] =	ssyncadd.tile.s32 @!p0 $0x1;
	_ =	shalt  }
.Lfunc_end2:
_tile_overlayer_lowered:
.L_overlay_start_2:
0x9d: {  	(tag) =	ssettag $0x2  }
0x9e: {  	s0 =	rddreg [dreg:$0x0];
	s2 =	stileid.u32  }
0x9f: {  	s1 =	rddreg [dreg:$0x1];
	p0 =	sne.s32 s2, $0x0  }
0xa0: {  	s3 =	rddreg [dreg:$0x2];
	[bflag:$0x3] =	sbarrier.arrive $0xFFFF;
	s2 =	simm.s32 @!p0 $0x1C07  }
0xa1: {  	[timem:s3], [sflag:s2] =	dma.local @!p0 [hbm:s0], s1  }
0xa2: {  	s0 =	simm.s32 @!p0 $0x7  }
0xa3: {  	_ =	swait.ge @!p0 [sflag:s0], s1  }
0xa4: {  	s1 =	ssub.s32 @!p0 $0x0, s1;
	[sflag:s0] =	ssyncset.done @!p0 $0x0  }
0xa5: {  	[sflag:s0] =	ssyncadd.s32 @!p0 s1  }
0xa6: {  	[bflag:$0x3] =	sbarrier.arrive $0xFFFF  }
0xa7: {  	_ =	shalt  }

// kernel: kernel.7.cloned.1.call-start
scs
__scs_entry_jumppad:
0x0: {  	(pc) =	sbr.rel $0x88, $3  }
0x1: {  	(tag) =	ssettag $0x0;
	lr =	simm.s32 $0x1  }
0x2: {  	[smem:$0x3F96] =	sst lr;
	_ =	strace $0xD0000000  }
0x3: {  	_ = 	snop  }
0x4: {  	_ = 	snop  }
0x5: {  	_ = 	snop  }
0x6: {  	_ = 	snop  }
0x7: {  	_ = 	snop  }
__scs_overlays_trampoline_lowered:
0x8: {  	[smem:$0x3FA5] =	sst s0  }
0x9: {  	[smem:$0x3FA6] =	sst s1  }
0xa: {  	[smem:$0x3FA7] =	sst s2  }
0xb: {  	[smem:$0x3FA8] =	sst s3  }
0xc: {  	[smem:$0x3FA9] =	sst s4  }
0xd: {  	[smem:$0x3FAA] =	sst s5  }
0xe: {  	[smem:$0x3FAB] =	sst s6  }
0xf: {  	[smem:$0x3FAC] =	sst s7  }
0x10: {  	[smem:$0x3FAD] =	sst s8  }
0x11: {  	[smem:$0x3FAE] =	sst s9;
	s0 =	simm.s32 @!p0 $0x0  }
0x12: {  	s1 =	sld [smem:$0x3F94];
	s0 =	simm.s32 @p0 $0x1  }
0x13: {  	[smem:$0x3FAF] =	sst s0;
	s0 =	simm.s32 @!p1 $0x0  }
0x14: {  	s2 =	sld [smem:$0x3F93];
	s0 =	simm.s32 @p1 $0x1  }
0x15: {  	[smem:$0x3FB0] =	sst s0;
	s0 =	simm.s32 @!p2 $0x0  }
0x16: {  	s3 =	sld [smem:$0x3FDB];
	s0 =	simm.s32 @p2 $0x1  }
0x17: {  	s4 =	simm.s32 $0x1BF5;
	[smem:$0x3FB2] =	sst s0  }
0x18: {  	s0 =	sld [smem:$0x3F95];
	_ =	swait.ge [sflag:s4], $0x0  }
0x19: {  	s7 =	sld [smem:$0x3F96]  }
0x1a: {  	s8 =	sadd.s32 $0xFFFFE003, lr  }
0x1b: {  	s9 =	sadd.s32 $0xFFFFFEF7, lr;
	s5 =	simm.s32 $0xFFFFFFFF;
	p2 =	slt.u32 s8, $0xFFFFF086  }
0x1c: {  	p1 =	slt.u32 s9, $0xF7A;
	s5 =	simm.s32 @!p2 $0x0  }
0x1d: {  	s5 =	simm.s32 @p1 $0x1;
	p0 =	seq.s32 s7, s2  }
0x1e: {  	s7 =	smul.u32 @!p0 $0xF7A, s2;
	p2 =	seq.s32 @!p0 s5, $0x0  }
0x1f: {  	s9 =	smul.u32 $0xF7A, s1;
	s8 =	simm.s32 @!p0 $0x1BF5;
	p2 =	por !p2, p0  }
0x20: {  	[sflag:s8] =	ssyncset.s32 @!p0 $0xFFFFF086;
	s6 =	sadd.s32 @!p0 s3, s7;
	s7 =	simm.s32 @!p0 $0x108  }
0x21: {  	s3 =	sadd.s32 s3, s9;
	s6 =	sadd.s32 @!p0 $0x88, s6;
	s7 =	simm.s32 @p2 $0x1082  }
0x22: {  	[simem:s7], [sflag:s8] =	dma.local @!p0 [hbm:s6], $0xF7A  }
0x23: {  	s9 =	sor.u32 $0xD0000000, s2;
	s6 =	simm.s32 $0x108;
	_ =	swait.ge @!p0 [sflag:s8], $0x0  }
0x24: {  	s3 =	sadd.s32 $0x88, s3;
	s6 =	simm.s32 @!p1 $0x1082;
	[sflag:s4] =	ssyncset.s32 $0xFFFFF086  }
0x25: {  	[simem:s6], [sflag:s4] =	dma.local [hbm:s3], $0xF7A  }
0x26: {  	[smem:$0x3F96] =	sst s1;
	(tag) =	ssettag s2;
	_ =	strace s9  }
0x27: {  	s1 =	sld [smem:$0x3FA6]  }
0x28: {  	s2 =	sld [smem:$0x3FA7]  }
0x29: {  	s4 =	sld [smem:$0x3FA9]  }
0x2a: {  	p0 =	seq.s32 s5, $0x0;
	s5 =	sld [smem:$0x3FAA]  }
0x2b: {  	s6 =	sld [smem:$0x3FAB]  }
0x2c: {  	s7 =	sld [smem:$0x3FAC]  }
0x2d: {  	s3 =	simm.s32 $0x108;
	s8 =	sld [smem:$0x3FAD]  }
0x2e: {  	s3 =	simm.s32 @!p0 $0x1082;
	s9 =	sld [smem:$0x3FAE]  }
0x2f: {  	lr =	sadd.s32 s0, s3;
	s0 =	sld [smem:$0x3FA5]  }
0x30: {  	s3 =	sld [smem:$0x3FA8]  }
0x31: {  	[smem:$0x3FB1] =	sst s10  }
0x32: {  	s10 =	sld [smem:$0x3FAF];
	_ =	sdelay $0x3  }
0x33: {  	p0 =	seq.s32 s10, $0x1;
	s10 =	sld [smem:$0x3FB1];
	_ =	sdelay $0x3  }
0x34: {  	[smem:$0x3FB1] =	sst s10  }
0x35: {  	s10 =	sld [smem:$0x3FB0];
	_ =	sdelay $0x3  }
0x36: {  	p1 =	seq.s32 s10, $0x1;
	s10 =	sld [smem:$0x3FB1];
	_ =	sdelay $0x3  }
0x37: {  	[smem:$0x3FB1] =	sst s10  }
0x38: {  	s10 =	sld [smem:$0x3FB2]  }
0x39: {  	_ = 	snop;
	(pc) =	sbr.ind lr, $3  }
0x3a: {  	_ = 	snop  }
0x3b: {  	_ = 	snop  }
0x3c: {  	p2 =	seq.s32 s10, $0x1;
	s10 =	sld [smem:$0x3FB1]  }
0x3d: {  	_ =	shalt  }
0x3e: {  	_ =	shalt  }
0x3f: {  	_ =	shalt  }
0x40: {  	_ =	shalt  }
0x41: {  	_ =	shalt  }
0x42: {  	_ =	shalt  }
0x43: {  	_ =	shalt  }
0x44: {  	_ =	shalt  }
0x45: {  	_ =	shalt  }
0x46: {  	_ =	shalt  }
0x47: {  	_ =	shalt  }
0x48: {  	_ =	shalt  }
0x49: {  	_ =	shalt  }
0x4a: {  	_ =	shalt  }
0x4b: {  	_ =	shalt  }
0x4c: {  	_ =	shalt  }
0x4d: {  	_ =	shalt  }
0x4e: {  	_ =	shalt  }
0x4f: {  	_ =	shalt  }
0x50: {  	_ =	shalt  }
0x51: {  	_ =	shalt  }
0x52: {  	_ =	shalt  }
0x53: {  	_ =	shalt  }
0x54: {  	_ =	shalt  }
0x55: {  	_ =	shalt  }
0x56: {  	_ =	shalt  }
0x57: {  	_ =	shalt  }
0x58: {  	_ =	shalt  }
0x59: {  	_ =	shalt  }
0x5a: {  	_ =	shalt  }
0x5b: {  	_ =	shalt  }
0x5c: {  	_ =	shalt  }
0x5d: {  	_ =	shalt  }
0x5e: {  	_ =	shalt  }
0x5f: {  	_ =	shalt  }
0x60: {  	_ =	shalt  }
0x61: {  	_ =	shalt  }
0x62: {  	_ =	shalt  }
0x63: {  	_ =	shalt  }
0x64: {  	_ =	shalt  }
0x65: {  	_ =	shalt  }
0x66: {  	_ =	shalt  }
0x67: {  	_ =	shalt  }
0x68: {  	_ =	shalt  }
0x69: {  	_ =	shalt  }
0x6a: {  	_ =	shalt  }
0x6b: {  	_ =	shalt  }
0x6c: {  	_ =	shalt  }
0x6d: {  	_ =	shalt  }
0x6e: {  	_ =	shalt  }
0x6f: {  	_ =	shalt  }
0x70: {  	_ =	shalt  }
0x71: {  	_ =	shalt  }
0x72: {  	_ =	shalt  }
0x73: {  	_ =	shalt  }
0x74: {  	_ =	shalt  }
0x75: {  	_ =	shalt  }
0x76: {  	_ =	shalt  }
0x77: {  	_ =	shalt  }
0x78: {  	_ =	shalt  }
0x79: {  	_ =	shalt  }
0x7a: {  	_ =	shalt  }
0x7b: {  	_ =	shalt  }
0x7c: {  	_ =	shalt  }
0x7d: {  	_ =	shalt  }
0x7e: {  	_ =	shalt  }
0x7f: {  	_ =	shalt  }
0x80: {  	_ =	shalt  }
0x81: {  	_ =	shalt  }
0x82: {  	_ =	shalt  }
0x83: {  	_ =	shalt  }
0x84: {  	_ =	shalt  }
0x85: {  	_ =	shalt  }
0x86: {  	_ =	shalt  }
0x87: {  	_ =	shalt  }
.Lfunc_end0:
.L_simem_size_0:
called_computation_lowered:
.L_overlay_start_0:
0x88: {  	s2 =	sld [smem:$0x3FD9]  }
0x89: {  	s3 =	sld [smem:$0x3FFE];
	_ =	sdelay $0x1  }
0x8a: {  	s1 =	srdreg.scid  }
0x8b: {  	s0 =	sand.u32 $0x1, s1  }
0x8c: {  	s16 =	sshll.u32 s0, $0xA;
	s2 =	sadd.s32 s3, s2  }
0x8d: {  	s2 =	sadd.s32 s2, s16  }
0x8e: {  	[smem:$0x3FBD] =	sst s2  }
0x8f: {  	_ = 	snop  }
0x90: {  	(tm) =	ssettm $0x1  }
0x91: {  	s17 =	sld [smem:$0x3FFB];
	_ =	sdelay $0x3  }
0x92: {  	_ =	strace s17  }
0x93: {  	s2 =	sld [smem:$0x3FFC];
	_ =	sdelay $0x3  }
0x94: {  	_ =	strace s2  }
0x95: {  	s2 =	sld [smem:$0x3FFD];
	_ =	sdelay $0x3  }
0x96: {  	_ =	strace s2  }
0x97: {  	_ =	strace $0x8FFFFFFF  }
0x98: {  	s18 =	sld [smem:$0x3FDB];
	_ =	sdelay $0x1  }
0x99: {  	s19 =	simm.s32 $_scs_section_size  }
0x9a: {  	s4 =	simm.s32 $_size__tile_overlayer_lowered;
	s5 =	simm.s32 $_tile_overlayer_lowered  }
0x9b: {  	s22 =	simm.s32 $0x1BFF;
	s21 =	sshll.u32 s5, $0x1;
	s2 =	sadd.s32 s19, s18  }
0x9c: {  	s6 =	simm.s32 $0x0;
	s20 =	sshll.u32 s4, $0x1;
	s4 =	sadd.s32 s21, s2  }
0x9d: {  	[timem:s6], [sflag:s22] =	dma.local [hbm:s4], s20  }
0x9e: {  	_ =	swait.ge [sflag:s22], s20  }
0x9f: {  	s3 =	ssub.s32 $0x0, s20;
	[sflag:s22] =	ssyncset.done $0x0  }
0xa0: {  	[sflag:s22] =	ssyncadd.s32 s3;
	_ =	sdelay $0x1  }
0xa1: {  	s23 =	simm.s32 $0x1B8B  }
0xa2: {  	_ =	swait.ge [sflag:s23], $0x1  }
0xa3: {  	[sflag:s23] =	ssyncset.done $0x0  }
0xa4: {  	s25 =	simm.s32 $0x1B8E;
	s24 =	sld [smem:$0x3FFE];
	[sflag:s23] =	ssyncadd.s32 $0xFFFFFFFF  }
0xa5: {  	s26 =	simm.s32 $execute0_lowered;
	[smem:$0x3FD2] =	sst s25  }
0xa6: {  	s4 =	sshll.u32 s26, $0x1;
	_ =	strace $0x80000046;
	[dreg:$0x1] =	wrdreg $0xFFFFFFFF  }
0xa7: {  	s28 =	simm.s32 $_size_execute0_lowered;
	s2 =	sadd.s32 s2, s4;
	[dreg:$0x0] =	wrdreg $0x0  }
0xa8: {  	s4 =	sshll.u32 s28, $0x1;
	[dreg:$0x2] =	wrdreg s2  }
0xa9: {  	[dreg:$0x3] =	wrdreg s4  }
0xaa: {  	[dreg:$0x4] =	wrdreg $0xC0  }
0xab: {  	_ =	task [dreg:s6], $0x5FFFF  }
0xac: {  	[dreg:$0x1] =	wrdreg $0xFFFFFFFF  }
0xad: {  	[dreg:$0x0] =	wrdreg $0x60  }
0xae: {  	[dreg:$0x2] =	wrdreg s24  }
0xaf: {  	[dreg:$0x3] =	wrdreg $0xC3000  }
0xb0: {  	[dreg:$0x4] =	wrdreg $0x9  }
0xb1: {  	_ =	task.clear_ibuf [dreg:s6], $0x5FFFF;
	_ =	strace $0x90000046  }
0xb2: {  	s29 =	simm.s32 $0x9;
	_ =	strace $0x80000048  }
0xb3: {  	_ =	swait.ge [sflag:s29], $0x1  }
0xb4: {  	[sflag:s29] =	ssyncadd.s32 $0xFFFFFFFF  }
0xb5: {  	_ =	strace $0x90000048  }
0xb6: {  	_ =	sfence  }
0xb7: {  	s30 =	sld [smem:$0x0];
	_ =	sdelay $0x2  }
0xb8: {  	s31 =	sshll.u32 s1, $0xD;
	s1 =	sshrl.u32 s1, $0x2  }
0xb9: {  	s3 =	sand.u32 $0x4000, s31;
	s1 =	sadd.s32 s1, s30  }
0xba: {  	s0 =	sor.u32 s3, s0;
	s1 =	sshll.u32 s1, $0x11  }
0xbb: {  	s0 =	sor.u32 s1, s0  }
0xbc: {  	s0 =	sadd.s32 $0x8F2B, s0  }
0xbd: {  	[sflag:s0] =	ssyncadd.remote.s32 $0x1  }
0xbe: {  	_ =	sfence.sel $0xFFFF  }
0xbf: {  	[dreg:$0x0] =	wrdreg $0xFFFFFFFF;
	(pc) =	sbr.abs _section_cstart, $3  }
0xc0: {  	[dreg:$0x1] =	wrdreg $0xFFFFFFFF  }
0xc1: {  	_ =	task.clear_ibuf [dreg:s6], $0x2FFFF;
	_ =	strace $0x9FFFFFFF  }
0xc2: {  	(tm) =	ssettm $0x7FFFFFFF  }
0xc3: {  	_ =	shalt  }
tec
execute0_lowered:
.L_overlay_start_1:
0x0: {  	(tag) =	ssettag $0x1  }
0x1: {  	s0 =	rddreg [dreg:$0x0]  }
0x2: {  	s1 =	rddreg [dreg:$0x1]  }
0x3: {  	s2 =	simm.s32 $0x0;
	s3 =	srdreg.scid;
	s17 =	stileid.u32  }
0x4: {  	s19 =	simm.s32 $0x7;
	s20 =	simm.s32 $0x80;
	s21 =	simm.s32 $0x300  }
0x5: {  	s22 =	simm.s32 $0x100;
	s23 =	simm.s32 $0x4300;
	s28 =	simm.s32 $0x2  }
0x6: {  	s29 =	simm.s32 $0x180;
	s30 =	simm.s32 $0x4;
	s31 =	simm.s32 $0x3  }
0x7: {  	[smem:$0x7FF] =	sst s2;
	s4 =	sadd.s32 $0x2C0A00, s0;
	s7 =	sadd.s32 $0x1800, s0  }
0x8: {  	s3 =	sand.u32 $0x1, s3;
	s5 =	sadd.s32 $0x2A000, s0;
	s9 =	smul.u32 $0x4F000, s17  }
0x9: {  	s10 =	sadd.s32 $0x2C800, s0;
	s16 =	sadd.s32 $0x128400, s1;
	s26 =	smul.u32 $0x13C00, s17  }
0xa: {  	s0 =	sadd.s32 $0x1820, s0;
	s13 =	smul.u32 $0xA2, s17;
	p0 =	seq.s32 s17, $0xF  }
0xb: {  	_ =	strace $0x80000047;
	s6 =	sshll.u32 s3, $0x4;
	s25 =	smul.u32 $0x138800, s3  }
0xc: {  	s8 =	ssub.s32 $0x2, s3;
	s3 =	smul.u32 $0xA20, s3;
	s16 =	sshrl.u32 @p0 s16, $0x3  }
0xd: {  	s6 =	sor.u32 s17, s6;
	s11 =	sshrl.u32 s8, $0x1;
	s24 =	sshrl.u32 s9, $0x2  }
0xe: {  	s12 =	smul.u32 $0x1440, s6;
	s8 =	ssub.s32 s8, s11;
	s18 =	sadd.s32 s24, s1  }
0xf: {  	s11 =	sadd.s32 s26, s25;
	s9 =	sshrl.u32 s25, $0x3;
	s3 =	sadd.s32 s13, s3  }
0x10: {  	s24 =	simm.s32 $0x1;
	s25 =	simm.s32 $0x200;
	s26 =	simm.s32 $0x8300  }
0x11: {  	s11 =	sshrl.u32 s11, $0x3;
	s9 =	sadd.s32 s10, s9;
	s8 =	smax.u32 s8, $0x1  }
0x12: {  	s3 =	sshll.u32 s3, $0x5;
	s18 =	sshrl.u32 @!p0 s18, $0x3;
	s6 =	sadd.s32 s7, s12  }
0x13: {  	s12 =	sadd.s32 s12, s0;
	s10 =	sadd.s32 s10, s11;
	[dreg:$0x6] =	wrdreg s8  }
0x14: {  	s9 =	sadd.s32 $0x25080, s9;
	s7 =	sadd.s32 s7, s3;
	[dreg:$0x3] =	wrdreg s12  }
.Ltmp0:
0x15: {  	s0 =	sadd.s32 s0, s3;
	[dreg:$0x4] =	wrdreg s10;
	(pc) =	sbr.rel .LBB2_1-.Ltmp0, $4  }
0x16: {  	s3 =	simm.s32 $0x5;
	s8 =	simm.s32 $0x0;
	[dreg:$0x5] =	wrdreg s9  }
0x17: {  	s11 =	sadd.s32 $0x40, s6;
	s12 =	sadd.s32 $0x60, s6;
	s13 =	sadd.s32 $0x80, s6  }
0x18: {  	s14 =	sadd.s32 $0xC0, s7;
	s15 =	sadd.s32 $0x80, s0;
	s0 =	sshll.u32 @!p0 s17, $0x6  }
0x19: {  	s7 =	simm.s32 $0x6;
	s17 =	sor.u32 @!p0 $0x1C07, s0;
	s0 =	simm.s32 $0x280  }
.LBB2_4:
0x1a: {  	_ =	swait.ge [sflag:s31], $0x4000  }
0x1b: {  	[sflag:s31] =	ssyncset.done $0x0  }
0x1c: {  	[sflag:s31] =	ssyncadd.s32 $0xFFFFC000  }
0x1d: {  	[spmem:s1] =	stream.indirect.scatter.add.f32 [tilespmem:s26], [sflag:$0x6], $0x80, s0, s20, $0xb8;
	[tilespmem:$0x1FD80] =	vst v63  }
0x1e: {  	_ =	swait.ge [sflag:s30], $0x4000  }
0x1f: {  	[sflag:s30] =	ssyncset.done $0x0  }
0x20: {  	[sflag:s30] =	ssyncadd.s32 $0xFFFFC000  }
0x21: {  	_ =	swait.ge [sflag:s3], $0x4000  }
0x22: {  	[sflag:s3] =	ssyncset.done $0x0  }
0x23: {  	[sflag:s3] =	ssyncadd.s32 $0xFFFFC000  }
0x24: {  	_ =	swait.ge [sflag:s7], $0x4000  }
0x25: {  	[sflag:s7] =	ssyncset.done $0x0  }
0x26: {  	[sflag:s7] =	ssyncadd.s32 $0xFFFFC000  }
0x27: {  	[bflag:$0x0] =	sbarrier.arrive $0xFFFF  }
0x28: {  	s9 =	simm.s32 @p0 $0x1FC7;
	s10 =	rddreg [dreg:$0x5]  }
0x29: {  	[hbm:s10], [sflag:s9] =	dma.local @p0 [spmem:s16], $0x2080  }
0x2a: {  	s9 =	simm.s32 @p0 $0x7  }
0x2b: {  	_ =	swait.ge @p0 [sflag:s9], $0x2080  }
0x2c: {  	[sflag:s9] =	ssyncset.done @p0 $0x0  }
0x2d: {  	[sflag:s9] =	ssyncadd.s32 @p0 $0xFFFFDF80;
	s9 =	rddreg [dreg:$0x4]  }
0x2e: {  	[hbm:s9], [sflag:s17] =	dma.local @!p0 [spmem:s18], $0x2780  }
0x2f: {  	s9 =	simm.s32 @!p0 $0x7  }
0x30: {  	_ =	swait.ge @!p0 [sflag:s9], $0x2780  }
0x31: {  	s8 =	sadd.s32 $0x1, s8;
	s10 =	rddreg [dreg:$0x6]  }
0x32: {  	p1 =	sne.s32 s8, s10  }
.Ltmp1:
0x33: {  	_ = 	snop;
	(pc) =	sbr.rel @!p1 .LBB2_5-.Ltmp1, $3  }
0x34: {  	_ =	sdelay $0x1  }
0x35: {  	[sflag:s9] =	ssyncset.done @!p0 $0x0  }
0x36: {  	[sflag:s9] =	ssyncadd.s32 @!p0 $0xFFFFD880  }
.LBB2_1:
0x37: {  	s9 =	simm.s32 @p0 $0x1FC7  }
0x38: {  	[spmem:s16], [sflag:s9] =	dma.local @p0 [hbm:s5], $0x2480  }
0x39: {  	s9 =	simm.s32 @p0 $0x7  }
0x3a: {  	_ =	swait.ge @p0 [sflag:s9], $0x2480  }
0x3b: {  	[sflag:s9] =	ssyncset.done @p0 $0x0  }
0x3c: {  	[sflag:s9] =	ssyncadd.s32 @p0 $0xFFFFDB80;
	s9 =	simm.s32 @!p0 $0x7  }
0x3d: {  	[spmem:s18], [sflag:s17] =	dma.local @!p0 [hbm:s5], $0x2780  }
0x3e: {  	_ =	swait.ge @!p0 [sflag:s9], $0x2780  }
0x3f: {  	[sflag:s9] =	ssyncset.done @!p0 $0x0  }
0x40: {  	[sflag:s9] =	ssyncadd.s32 @!p0 $0xFFFFD880  }
0x41: {  	[bflag:$0x0] =	sbarrier.arrive $0xFFFF  }
0x42: {  	[tilespmem:s2], [sflag:$0x7] =	stream.linear.gather [hbm4b:s6+s2], $0x100, $0x38;
	[tilespmem:$0x1FD80] =	vst v63  }
0x43: {  	_ =	swait.ge [sflag:s19], $0x100  }
0x44: {  	[sflag:s19] =	ssyncset.done $0x0  }
0x45: {  	[sflag:s19] =	ssyncadd.s32 $0xFFFFFF00  }
0x46: {  	[tilespmem:s21], [sflag:$0x1] =	stream.indirect.gather [hbm4b:s4+s20], $0x80, s2, s20, $0xb8;
	[tilespmem:$0x1FD80] =	vst v63  }
0x47: {  	s10 =	rddreg [dreg:$0x3]  }
0x48: {  	[tilespmem:s22], [sflag:$0x7] =	stream.linear.gather [hbm4b:s10+s2], $0x100, $0x38;
	[tilespmem:$0x1FD80] =	vst v63  }
0x49: {  	_ =	swait.ge [sflag:s19], $0x100  }
0x4a: {  	[sflag:s19] =	ssyncset.done $0x0  }
0x4b: {  	[sflag:s19] =	ssyncadd.s32 $0xFFFFFF00  }
0x4c: {  	[tilespmem:s23], [sflag:$0x2] =	stream.indirect.gather [hbm4b:s4+s20], $0x80, s22, s20, $0xb8;
	[tilespmem:$0x1FD80] =	vst v63  }
0x4d: {  	_ =	swait.ge [sflag:s24], $0x4000  }
0x4e: {  	[sflag:s24] =	ssyncset.done $0x0  }
0x4f: {  	[sflag:s24] =	ssyncadd.s32 $0xFFFFC000  }
0x50: {  	[spmem:s1] =	stream.indirect.scatter.add.f32 [tilespmem:s21], [sflag:$0x4], $0x80, s20, s20, $0xb8;
	[tilespmem:$0x1FD80] =	vst v63  }
0x51: {  	_ = 	snop  }
0x52: {  	[tilespmem:s25], [sflag:$0x7] =	stream.linear.gather [hbm4b:s11+s2], $0x100, $0x38;
	[tilespmem:$0x1FD80] =	vst v63  }
0x53: {  	_ =	swait.ge [sflag:s19], $0x100  }
0x54: {  	[sflag:s19] =	ssyncset.done $0x0  }
0x55: {  	[sflag:s19] =	ssyncadd.s32 $0xFFFFFF00  }
0x56: {  	[tilespmem:s26], [sflag:$0x3] =	stream.indirect.gather [hbm4b:s4+s20], $0x80, s25, s20, $0xb8;
	[tilespmem:$0x1FD80] =	vst v63  }
0x57: {  	_ =	swait.ge [sflag:s28], $0x4000  }
0x58: {  	[sflag:s28] =	ssyncset.done $0x0  }
0x59: {  	[sflag:s28] =	ssyncadd.s32 $0xFFFFC000  }
0x5a: {  	[spmem:s1] =	stream.indirect.scatter.add.f32 [tilespmem:s23], [sflag:$0x5], $0x80, s29, s20, $0xb8;
	[tilespmem:$0x1FD80] =	vst v63  }
0x5b: {  	_ =	swait.ge [sflag:s30], $0x4000  }
0x5c: {  	[sflag:s30] =	ssyncset.done $0x0  }
0x5d: {  	[sflag:s30] =	ssyncadd.s32 $0xFFFFC000  }
0x5e: {  	[tilespmem:s2], [sflag:$0x7] =	stream.linear.gather [hbm4b:s12+s2], $0x100, $0x38;
	[tilespmem:$0x1FD80] =	vst v63  }
0x5f: {  	_ =	swait.ge [sflag:s19], $0x100  }
0x60: {  	[sflag:s19] =	ssyncset.done $0x0  }
0x61: {  	[sflag:s19] =	ssyncadd.s32 $0xFFFFFF00  }
0x62: {  	[tilespmem:s21], [sflag:$0x1] =	stream.indirect.gather [hbm4b:s4+s20], $0x80, s2, s20, $0xb8;
	[tilespmem:$0x1FD80] =	vst v63  }
0x63: {  	_ =	swait.ge [sflag:s31], $0x4000  }
0x64: {  	[sflag:s31] =	ssyncset.done $0x0  }
0x65: {  	[sflag:s31] =	ssyncadd.s32 $0xFFFFC000  }
0x66: {  	[spmem:s1] =	stream.indirect.scatter.add.f32 [tilespmem:s26], [sflag:$0x6], $0x80, s0, s20, $0xb8;
	[tilespmem:$0x1FD80] =	vst v63  }
0x67: {  	_ =	swait.ge [sflag:s3], $0x4000  }
0x68: {  	[sflag:s3] =	ssyncset.done $0x0  }
0x69: {  	[sflag:s3] =	ssyncadd.s32 $0xFFFFC000  }
0x6a: {  	[tilespmem:s22], [sflag:$0x7] =	stream.linear.gather [hbm4b:s13+s2], $0x100, $0x38;
	[tilespmem:$0x1FD80] =	vst v63  }
0x6b: {  	_ =	swait.ge [sflag:s19], $0x100  }
0x6c: {  	[sflag:s19] =	ssyncset.done $0x0  }
0x6d: {  	s9 =	simm.s32 $0x0;
	[sflag:s19] =	ssyncadd.s32 $0xFFFFFF00  }
0x6e: {  	[tilespmem:s23], [sflag:$0x2] =	stream.indirect.gather [hbm4b:s4+s20], $0x80, s22, s20, $0xb8;
	[tilespmem:$0x1FD80] =	vst v63  }
.LBB2_2:
0x6f: {  	_ =	swait.ge [sflag:s24], $0x4000  }
0x70: {  	[sflag:s24] =	ssyncset.done $0x0  }
0x71: {  	[sflag:s24] =	ssyncadd.s32 $0xFFFFC000  }
0x72: {  	[spmem:s1] =	stream.indirect.scatter.add.f32 [tilespmem:s21], [sflag:$0x4], $0x80, s20, s20, $0xb8;
	[tilespmem:$0x1FD80] =	vst v63  }
0x73: {  	_ =	swait.ge [sflag:s7], $0x4000  }
0x74: {  	[sflag:s7] =	ssyncset.done $0x0  }
0x75: {  	s10 =	sadd.s32 s9, s15;
	[sflag:s7] =	ssyncadd.s32 $0xFFFFC000  }
0x76: {  	[tilespmem:s25], [sflag:$0x7] =	stream.linear.gather [hbm4b:s10+s2], $0x100, $0x38;
	[tilespmem:$0x1FD80] =	vst v63  }
0x77: {  	_ =	swait.ge [sflag:s19], $0x100  }
0x78: {  	[sflag:s19] =	ssyncset.done $0x0  }
0x79: {  	p1 =	seq.s32 s9, $0x1380;
	[sflag:s19] =	ssyncadd.s32 $0xFFFFFF00  }
0x7a: {  	[tilespmem:s26], [sflag:$0x3] =	stream.indirect.gather [hbm4b:s4+s20], $0x80, s25, s20, $0xb8;
	[tilespmem:$0x1FD80] =	vst v63  }
.Ltmp2:
0x7b: {  	_ = 	snop;
	(pc) =	sbr.rel @p1 .LBB2_4-.Ltmp2, $4  }
0x7c: {  	_ =	swait.ge [sflag:s28], $0x4000  }
0x7d: {  	[sflag:s28] =	ssyncset.done $0x0  }
0x7e: {  	[sflag:s28] =	ssyncadd.s32 $0xFFFFC000  }
0x7f: {  	[spmem:s1] =	stream.indirect.scatter.add.f32 [tilespmem:s23], [sflag:$0x5], $0x80, s29, s20, $0xb8;
	[tilespmem:$0x1FD80] =	vst v63  }
0x80: {  	_ =	swait.ge [sflag:s30], $0x4000  }
0x81: {  	[sflag:s30] =	ssyncset.done $0x0  }
0x82: {  	s10 =	sadd.s32 s9, s14;
	[sflag:s30] =	ssyncadd.s32 $0xFFFFC000  }
0x83: {  	[tilespmem:s2], [sflag:$0x7] =	stream.linear.gather [hbm4b:s10+s2], $0x100, $0x38;
	[tilespmem:$0x1FD80] =	vst v63  }
0x84: {  	_ =	swait.ge [sflag:s19], $0x100  }
0x85: {  	[sflag:s19] =	ssyncset.done $0x0  }
0x86: {  	[sflag:s19] =	ssyncadd.s32 $0xFFFFFF00  }
0x87: {  	[tilespmem:s21], [sflag:$0x1] =	stream.indirect.gather [hbm4b:s4+s20], $0x80, s2, s20, $0xb8;
	[tilespmem:$0x1FD80] =	vst v63  }
0x88: {  	_ =	swait.ge [sflag:s31], $0x4000  }
0x89: {  	[sflag:s31] =	ssyncset.done $0x0  }
0x8a: {  	[sflag:s31] =	ssyncadd.s32 $0xFFFFC000  }
0x8b: {  	[spmem:s1] =	stream.indirect.scatter.add.f32 [tilespmem:s26], [sflag:$0x6], $0x80, s0, s20, $0xb8;
	[tilespmem:$0x1FD80] =	vst v63  }
0x8c: {  	_ =	swait.ge [sflag:s3], $0x4000  }
0x8d: {  	[sflag:s3] =	ssyncset.done $0x0  }
0x8e: {  	s10 =	sadd.s32 $0x20, s10;
	[sflag:s3] =	ssyncadd.s32 $0xFFFFC000  }
0x8f: {  	[tilespmem:s22], [sflag:$0x7] =	stream.linear.gather [hbm4b:s10+s2], $0x100, $0x38;
	[tilespmem:$0x1FD80] =	vst v63  }
.Ltmp3:
0x90: {  	_ = 	snop;
	(pc) =	sbr.rel .LBB2_2-.Ltmp3, $4  }
0x91: {  	_ =	swait.ge [sflag:s19], $0x100  }
0x92: {  	[sflag:s19] =	ssyncset.done $0x0  }
0x93: {  	s9 =	sadd.s32 $0x60, s9;
	[sflag:s19] =	ssyncadd.s32 $0xFFFFFF00  }
0x94: {  	[tilespmem:s23], [sflag:$0x2] =	stream.indirect.gather [hbm4b:s4+s20], $0x80, s22, s20, $0xb8;
	[tilespmem:$0x1FD80] =	vst v63  }
.LBB2_5:
0x95: {  	_ =	sfence.sel $0x180000  }
0x96: {  	[bflag:$0x0] =	sbarrier.arrive $0xFFFF  }
0x97: {  	_ =	strace $0x90000047  }
0x98: {  	s0 =	stileid.u32;
	[bflag:$0x2] =	sbarrier.arrive $0xFFFF  }
0x99: {  	p0 =	sne.s32 s0, $0x0;
	s0 =	rddreg [dreg:$0x2]  }
0x9a: {  	s0 =	sadd.s32 @!p0 $0x100000, s0  }
0x9b: {  	[sflag:s0] =	ssyncadd.tile.s32 @!p0 $0x1;
	_ =	shalt  }
.Lfunc_end2:
_tile_overlayer_lowered:
.L_overlay_start_2:
0x9c: {  	(tag) =	ssettag $0x2  }
0x9d: {  	s0 =	rddreg [dreg:$0x0];
	s2 =	stileid.u32  }
0x9e: {  	s1 =	rddreg [dreg:$0x1];
	p0 =	sne.s32 s2, $0x0  }
0x9f: {  	s3 =	rddreg [dreg:$0x2];
	[bflag:$0x3] =	sbarrier.arrive $0xFFFF;
	s2 =	simm.s32 @!p0 $0x1C07  }
0xa0: {  	[timem:s3], [sflag:s2] =	dma.local @!p0 [hbm:s0], s1  }
0xa1: {  	s0 =	simm.s32 @!p0 $0x7  }
0xa2: {  	_ =	swait.ge @!p0 [sflag:s0], s1  }
0xa3: {  	s1 =	ssub.s32 @!p0 $0x0, s1;
	[sflag:s0] =	ssyncset.done @!p0 $0x0  }
0xa4: {  	[sflag:s0] =	ssyncadd.s32 @!p0 s1  }
0xa5: {  	[bflag:$0x3] =	sbarrier.arrive $0xFFFF  }
0xa6: {  	_ =	shalt  }

</sc_bundles>
